<compile_context>
chip_gen: v7x
topology: tpu7x:2x2x1
jax: 0.10.2.dev20260603
libtpu: 0.0.44.dev20260713+nightly
codegen_flags: <defaults>
</compile_context>

<pallas_src>
import functools

import jax
import jax.numpy as jnp
from jax import lax
from jax.experimental import pallas as pl
from jax.experimental.pallas import tpu as pltpu
from jax.experimental.pallas import tpu_sc as plsc

N_UE, N_AP, E = 50000, 10000, 800000
NC, NS, LANES = 2, 16, 16
NW = NC * NS
CB = 3200
NCHUNK = E // CB
ROUNDS = -(-NCHUNK // NW)
VECS = CB // LANES


def _sc_edge_kernel(xu0_h, es_h, edua_h, edau_h, a1_h, b1_h, a2_h, b2_h,
                    ones_h, zap_h, zue_h,
                    o_s1, o_s2, o_c, o_s2u, o_cu,
                    xu0_v, es_v, edua_v, edau_v, a1_v, b1_v, a2_v, b2_v,
                    sval_v, ta_v, tb_v, ones_v,
                    t_s1, t_s2, t_c, t_s2u, t_cu,
                    sem_l, sem_s):
    cid = lax.axis_index("c")
    sid = lax.axis_index("s")

    pltpu.sync_copy(ones_h, ones_v)
    pltpu.sync_copy(xu0_h, xu0_v)

    @pl.when(sid < 5)
    def _():
        d = pl.ds(sid * 2000, 2000)
        pltpu.sync_copy(zap_h.at[d], t_s1.at[d])

    @pl.when((sid >= 5) & (sid < 10))
    def _():
        d = pl.ds((sid - 5) * 2000, 2000)
        pltpu.sync_copy(zap_h.at[d], t_s2.at[d])

    @pl.when((sid >= 10) & (sid < 15))
    def _():
        d = pl.ds((sid - 10) * 2000, 2000)
        pltpu.sync_copy(zap_h.at[d], t_c.at[d])

    @pl.when(sid < 2)
    def _():
        d = pl.ds(sid * 25000, 25000)
        pltpu.sync_copy(zue_h.at[d], t_s2u.at[d])

    @pl.when((sid >= 2) & (sid < 4))
    def _():
        d = pl.ds((sid - 2) * 25000, 25000)
        pltpu.sync_copy(zue_h.at[d], t_cu.at[d])

    plsc.subcore_barrier()

    wid = sid * NC + cid
    lane = lax.iota(jnp.int32, LANES)

    _loads = ((es_h, es_v), (edua_h, edua_v), (edau_h, edau_v),
              (a1_h, a1_v), (b1_h, b1_v), (a2_h, a2_v), (b2_h, b2_v))

    def fire_loads(b, c):
        for hb, vm in _loads:
            pltpu.async_copy(hb.at[pl.ds(c * CB, CB)], vm.at[b], sem_l)

    def drain_loads(b, c):
        for hb, vm in _loads:
            pltpu.make_async_copy(hb.at[pl.ds(c * CB, CB)], vm.at[b],
                                  sem_l).wait()

    def fire_scatters(b):
        ia = edua_v.at[b]
        iu = edau_v.at[b]
        pltpu.async_copy(sval_v.at[b], t_s1.at[ia], sem_s, add=True)
        pltpu.async_copy(ta_v.at[b], t_s2.at[ia], sem_s, add=True)
        pltpu.async_copy(ones_v, t_c.at[ia], sem_s, add=True)
        pltpu.async_copy(tb_v.at[b], t_s2u.at[iu], sem_s, add=True)
        pltpu.async_copy(ones_v, t_cu.at[iu], sem_s, add=True)

    def drain_scatters(b):
        ia = edua_v.at[b]
        iu = edau_v.at[b]
        pltpu.make_async_copy(sval_v.at[b], t_s1.at[ia], sem_s).wait()
        pltpu.make_async_copy(ta_v.at[b], t_s2.at[ia], sem_s).wait()
        pltpu.make_async_copy(ones_v, t_c.at[ia], sem_s).wait()
        pltpu.make_async_copy(tb_v.at[b], t_s2u.at[iu], sem_s).wait()
        pltpu.make_async_copy(ones_v, t_cu.at[iu], sem_s).wait()

    def compute(b):
        def vec_body(i, _):
            off = i * LANES
            sidx = es_v[b, pl.ds(off, LANES)]
            sval = plsc.load_gather(xu0_v, [sidx])
            a1 = a1_v[b, pl.ds(off, LANES)]
            b1 = b1_v[b, pl.ds(off, LANES)]
            a2 = a2_v[b, pl.ds(off, LANES)]
            b2 = b2_v[b, pl.ds(off, LANES)]
            sval_v[b, pl.ds(off, LANES)] = sval
            ta_v[b, pl.ds(off, LANES)] = a1 * (1.0 - b1)
            tb_v[b, pl.ds(off, LANES)] = a2 * (1.0 - b2)
            return 0
        lax.fori_loop(0, VECS, vec_body, 0)

    fire_loads(0, wid)

    def round_body(r, _):
        b = lax.rem(r, 2)
        c = r * NW + wid

        @pl.when(c < NCHUNK)
        def _():
            drain_loads(b, c)
            compute(b)

        @pl.when((r > 0) & (c - NW < NCHUNK))
        def _():
            drain_scatters(1 - b)

        @pl.when(c < NCHUNK)
        def _():
            fire_scatters(b)

            @pl.when(c + NW < NCHUNK)
            def _():
                fire_loads(1 - b, c + NW)
        return 0
    lax.fori_loop(0, ROUNDS, round_body, 0)

    @pl.when(wid < NCHUNK - (ROUNDS - 1) * NW)
    def _():
        drain_scatters((ROUNDS - 1) % 2)

    plsc.subcore_barrier()

    @pl.when(sid < 5)
    def _():
        d = pl.ds(sid * 2000, 2000)
        pltpu.sync_copy(t_s1.at[d], o_s1.at[cid, d])
        pltpu.sync_copy(t_s2.at[d], o_s2.at[cid, d])
        pltpu.sync_copy(t_c.at[d], o_c.at[cid, d])

    @pl.when((sid >= 5) & (sid < 7))
    def _():
        d = pl.ds((sid - 5) * 25000, 25000)
        pltpu.sync_copy(t_s2u.at[d], o_s2u.at[cid, d])

    @pl.when((sid >= 7) & (sid < 9))
    def _():
        d = pl.ds((sid - 7) * 25000, 25000)
        pltpu.sync_copy(t_cu.at[d], o_cu.at[cid, d])


def _run_sc_segment_sums(xu0, es, edua, edau, a1, b1, a2, b2):
    mesh = plsc.VectorSubcoreMesh(core_axis_name="c", subcore_axis_name="s",
                                  num_cores=NC, num_subcores=NS)
    f32 = jnp.float32
    out_type = (jax.ShapeDtypeStruct((NC, N_AP), f32),
                jax.ShapeDtypeStruct((NC, N_AP), f32),
                jax.ShapeDtypeStruct((NC, N_AP), f32),
                jax.ShapeDtypeStruct((NC, N_UE), f32),
                jax.ShapeDtypeStruct((NC, N_UE), f32))
    scratch = [pltpu.VMEM((N_UE,), f32),
               pltpu.VMEM((2, CB), jnp.int32),
               pltpu.VMEM((2, CB), jnp.int32),
               pltpu.VMEM((2, CB), jnp.int32),
               pltpu.VMEM((2, CB), f32),
               pltpu.VMEM((2, CB), f32),
               pltpu.VMEM((2, CB), f32),
               pltpu.VMEM((2, CB), f32),
               pltpu.VMEM((2, CB), f32),
               pltpu.VMEM((2, CB), f32),
               pltpu.VMEM((2, CB), f32),
               pltpu.VMEM((CB,), f32),
               pltpu.VMEM_SHARED((N_AP,), f32),
               pltpu.VMEM_SHARED((N_AP,), f32),
               pltpu.VMEM_SHARED((N_AP,), f32),
               pltpu.VMEM_SHARED((N_UE,), f32),
               pltpu.VMEM_SHARED((N_UE,), f32),
               pltpu.SemaphoreType.DMA,
               pltpu.SemaphoreType.DMA]
    ones_arr = jnp.ones((CB,), f32)
    zap = jnp.zeros((N_AP,), f32)
    zue = jnp.zeros((N_UE,), f32)
    return pl.kernel(_sc_edge_kernel, out_type=out_type, mesh=mesh,
                     scratch_types=scratch,
                     compiler_params=pltpu.CompilerParams(
                         use_tc_tiling_on_sc=False,
                         needs_layout_passes=False))(
        xu0, es, edua, edau, a1, b1, a2, b2, ones_arr, zap, zue)


def _ap_dense_kernel(s1_ref, s2_ref, c_ref, xa_ref, vm_ref, ve_ref, vu_ref,
                     w1_ref, b1_ref, w2_ref, b2_ref, out_ref):
    s1 = s1_ref[0, :] + s1_ref[1, :]
    s2 = s2_ref[0, :] + s2_ref[1, :]
    c = c_ref[0, :] + c_ref[1, :]
    inv = 1.0 / jnp.maximum(c, 1.0)
    s1n = (s1 * inv)[None, :]
    s2n = (s2 * inv)[None, :]
    xa = xa_ref[...]
    for l in range(2):
        z = (vm_ref[l][:, None] * s1n + ve_ref[l][:, None] * s2n
             + vu_ref[l][:, None] * xa)
        h = jax.nn.relu(jnp.dot(w1_ref[l], z,
                                preferred_element_type=jnp.float32)
                        + b1_ref[l][:, None])
        xa = jax.nn.sigmoid(jnp.dot(w2_ref[l], h,
                                    preferred_element_type=jnp.float32)
                            + b2_ref[l][:, None])
    out_ref[...] = xa


def _ue_dense_kernel(x_ref, s2_ref, c_ref, veau_ref, uw1_ref, ub1_ref,
                     uw2_ref, ub2_ref, pw1_ref, pb1_ref, pw2_ref, pb2_ref,
                     out_ref):
    s2 = s2_ref[0, :] + s2_ref[1, :]
    c = c_ref[0, :] + c_ref[1, :]
    base = (s2 / jnp.maximum(c, 1.0))[None, :]
    xt = x_ref[...]
    x0 = xt[0:1, :]
    cur = xt
    for l in range(2):
        a = veau_ref[l][:, None] * base
        m = jax.nn.relu(jnp.dot(uw1_ref[l], cur,
                                preferred_element_type=jnp.float32)
                        + ub1_ref[l][:, None])
        m = jax.nn.relu(jnp.dot(uw2_ref[l], m,
                                preferred_element_type=jnp.float32)
                        + ub2_ref[l][:, None])
        z = a + m
        h = jax.nn.relu(jnp.dot(pw1_ref[l], z,
                                preferred_element_type=jnp.float32)
                        + pb1_ref[l][:, None])
        pw = jax.nn.sigmoid(jnp.dot(pw2_ref[l], h,
                                    preferred_element_type=jnp.float32)
                            + pb2_ref[l][:, None])
        cur = jnp.concatenate([x0, pw], axis=0)
    out_ref[...] = cur


def _vvec(p):
    return jax.nn.relu(jax.nn.relu(p['W1'][0]) @ p['W2'])


def kernel(x_ue, x_ap, ea_ua, ea_au, params, es_ua, ed_ua, es_au, ed_au):
    f32 = jnp.float32
    xu0 = x_ue[:, 0].astype(f32)
    es = es_ua.astype(jnp.int32)
    edua = ed_ua.astype(jnp.int32)
    edau = ed_au.astype(jnp.int32)
    ea1 = ea_ua.astype(f32)
    ea2 = ea_au.astype(f32)

    p_s1, p_s2, p_c, p_s2u, p_cu = _run_sc_segment_sums(
        xu0, es, edua, edau,
        ea1[:, 0], ea1[:, 1], ea2[:, 0], ea2[:, 1])

    vm = jnp.stack([_vvec(p['msg_ue']) for p in params])
    ve = jnp.stack([_vvec(p['edge_ua']) for p in params])
    vu = jnp.stack([_vvec(p['upd_ap']) for p in params])
    veau = jnp.stack([_vvec(p['edge_au']) for p in params])

    paw1 = jnp.stack([p['pow_ap']['W1'].T for p in params])
    pab1 = jnp.stack([p['pow_ap']['b1'] for p in params])
    paw2 = jnp.stack([p['pow_ap']['W2'].T for p in params])
    pab2 = jnp.stack([p['pow_ap']['b2'] for p in params])

    uw1 = jnp.stack([p['upd_ue']['W1'].T for p in params])
    ub1 = jnp.stack([p['upd_ue']['b1'] for p in params])
    uw2 = jnp.stack([p['upd_ue']['W2'].T for p in params])
    ub2 = jnp.stack([p['upd_ue']['b2'] for p in params])
    puw1 = jnp.stack([p['pow_ue']['W1'].T for p in params])
    pub1 = jnp.stack([p['pow_ue']['b1'] for p in params])
    puw2 = jnp.stack([p['pow_ue']['W2'].T for p in params])
    pub2 = jnp.stack([p['pow_ue']['b2'] for p in params])

    xa_t = x_ap.astype(f32).T
    out_ap_t = pl.pallas_call(
        _ap_dense_kernel,
        out_shape=jax.ShapeDtypeStruct((1, N_AP), f32),
    )(p_s1, p_s2, p_c, xa_t, vm, ve, vu, paw1, pab1, paw2, pab2)
    out_ap = out_ap_t.T

    x_t = x_ue.astype(f32).T
    blk = 12800
    nblk = -(-N_UE // blk)
    bspec_n = pl.BlockSpec((2, blk), lambda i: (0, i))
    full = lambda s: pl.BlockSpec(s, lambda i: (0,) * len(s))
    out_ue_t = pl.pallas_call(
        _ue_dense_kernel,
        grid=(nblk,),
        in_specs=[bspec_n, bspec_n, bspec_n,
                  full((2, 32)), full((2, 16, 2)), full((2, 16)),
                  full((2, 32, 16)), full((2, 32)), full((2, 16, 32)),
                  full((2, 16)), full((2, 1, 16)), full((2, 1))],
        out_specs=bspec_n,
        out_shape=jax.ShapeDtypeStruct((2, N_UE), f32),
    )(x_t, p_s2u, p_cu, veau, uw1, ub1, uw2, ub2, puw1, pub1, puw2, pub2)
    out_ue = out_ue_t.T

    return out_ue, out_ap

# --- scband reference (transcript-rebuilt; emitter-appended) ---
"""Pipeline reference for scband-het-net-gnn-combine-42580305772713 (READ-ONLY COPY).

The authoritative reference and input builder live on the scoring server;
editing this copy changes nothing except your own understanding.
"""

import jax, jax.numpy as jnp
import numpy as np


def _mlp2(x, p):
    x = jax.nn.relu(x @ p['W1'] + p['b1'])
    return jax.nn.relu(x @ p['W2'] + p['b2'])


def _power_head(x, p):
    h = jax.nn.relu(x @ p['W1'] + p['b1'])
    return jax.nn.sigmoid(h @ p['W2'] + p['b2'])


def _mean_aggr(msgs, dst, n):
    s = jax.ops.segment_sum(msgs, dst, num_segments=n)
    c = jax.ops.segment_sum(jnp.ones((msgs.shape[0], 1), msgs.dtype), dst, num_segments=n)
    return s / jnp.maximum(c, 1.0)


def _layer(p, xu, xa, es_ua, ed_ua, ea_ua, es_au, ed_au, ea_au):
    # edge type ('ue','to','ap'): src=ue, dst=ap
    node_ft = xu[es_ua][:, :1]
    eft = ea_ua[:, :1] * (1.0 - ea_ua[:, 1:2])
    msg = _mlp2(node_ft, p['msg_ue']) + _mlp2(eft, p['edge_ua'])
    aggr_ap = _mean_aggr(msg, ed_ua, xa.shape[0])
    out_ap = _power_head(aggr_ap + _mlp2(xa, p['upd_ap']), p['pow_ap'])
    # edge type ('ap','to','ue'): src=ap, dst=ue (message uses only edge mlp since src_type != 'ue')
    eft2 = ea_au[:, :1] * (1.0 - ea_au[:, 1:2])
    msg2 = _mlp2(eft2, p['edge_au'])
    aggr_ue = _mean_aggr(msg2, ed_au, xu.shape[0])
    pw = _power_head(aggr_ue + _mlp2(xu, p['upd_ue']), p['pow_ue'])
    out_ue = jnp.concatenate([xu[:, :1], pw], axis=1)
    return out_ue, out_ap


def _mk(key, din, dh, dout):
    k1, k2 = jax.random.split(key)
    return {'W1': jax.random.normal(k1, (din, dh), jnp.float32) * 0.1,
            'b1': jnp.zeros((dh,), jnp.float32),
            'W2': jax.random.normal(k2, (dh, dout), jnp.float32) * 0.1,
            'b2': jnp.zeros((dout,), jnp.float32)}


def _mk_layer(key):
    ks = jax.random.split(key, 7)
    return {'msg_ue': _mk(ks[0], 1, 16, 32),
            'edge_ua': _mk(ks[1], 1, 16, 32),
            'edge_au': _mk(ks[2], 1, 16, 32),
            'upd_ue': _mk(ks[3], 2, 16, 32),
            'upd_ap': _mk(ks[4], 1, 16, 32),
            'pow_ue': _mk(ks[5], 32, 16, 1),
            'pow_ap': _mk(ks[6], 32, 16, 1)}


def setup_inputs(seed: int = 0) -> dict:
    key = jax.random.key(seed)
    ks = jax.random.split(key, 12)
    n_ue, n_ap, E = 50000, 10000, 800000
    x_ue = jax.random.uniform(ks[0], (n_ue, 2), jnp.float32)
    x_ap = jax.random.uniform(ks[1], (n_ap, 1), jnp.float32)
    ea_ua = jax.random.uniform(ks[2], (E, 2), jnp.float32)
    ea_au = jax.random.uniform(ks[3], (E, 2), jnp.float32)
    es_ua = jax.random.randint(ks[4], (E,), 0, n_ue)
    ed_ua = jax.random.randint(ks[5], (E,), 0, n_ap)
    es_au = jax.random.randint(ks[6], (E,), 0, n_ap)
    ed_au = jax.random.randint(ks[7], (E,), 0, n_ue)
    params = [_mk_layer(ks[8]), _mk_layer(ks[9])]
    return {'x_ue': x_ue, 'x_ap': x_ap, 'ea_ua': ea_ua, 'ea_au': ea_au,
            'params': params,
            'es_ua': es_ua, 'ed_ua': ed_ua, 'es_au': es_au, 'ed_au': ed_au}


def reference(x_ue, x_ap, ea_ua, ea_au, params, es_ua, ed_ua, es_au, ed_au):
    xu, xa = x_ue, x_ap
    for p in params:
        xu, xa = _layer(p, xu, xa, es_ua, ed_ua, ea_ua, es_au, ed_au, ea_au)
    return xu, xa

if __name__ == "__main__":
    import jax
    _d = setup_inputs()
    print(jax.jit(kernel)(*tuple(_d.values())))

</pallas_src>

<mosaic_0001>
#map = affine_map<(d0, d1) -> (0)>
#map1 = affine_map<(d0, d1) -> (0, 0)>
module attributes {stable_mosaic.version = 14 : i64} {
  func.func @_sc_edge_kernel(%arg0: i32, %arg1: i32, %arg2: memref<50000xf32, #tpu.memory_space<hbm>>, %arg3: memref<800000xi32, #tpu.memory_space<hbm>>, %arg4: memref<800000xi32, #tpu.memory_space<hbm>>, %arg5: memref<800000xi32, #tpu.memory_space<hbm>>, %arg6: memref<800000xf32, #tpu.memory_space<hbm>>, %arg7: memref<800000xf32, #tpu.memory_space<hbm>>, %arg8: memref<800000xf32, #tpu.memory_space<hbm>>, %arg9: memref<800000xf32, #tpu.memory_space<hbm>>, %arg10: memref<3200xf32, #tpu.memory_space<hbm>>, %arg11: memref<10000xf32, #tpu.memory_space<hbm>>, %arg12: memref<50000xf32, #tpu.memory_space<hbm>>, %arg13: memref<2x10000xf32, #tpu.memory_space<hbm>>, %arg14: memref<2x10000xf32, #tpu.memory_space<hbm>>, %arg15: memref<2x10000xf32, #tpu.memory_space<hbm>>, %arg16: memref<2x50000xf32, #tpu.memory_space<hbm>>, %arg17: memref<2x50000xf32, #tpu.memory_space<hbm>>, %arg18: memref<50000xf32, #tpu.memory_space<vmem>>, %arg19: memref<2x3200xi32, #tpu.memory_space<vmem>>, %arg20: memref<2x3200xi32, #tpu.memory_space<vmem>>, %arg21: memref<2x3200xi32, #tpu.memory_space<vmem>>, %arg22: memref<2x3200xf32, #tpu.memory_space<vmem>>, %arg23: memref<2x3200xf32, #tpu.memory_space<vmem>>, %arg24: memref<2x3200xf32, #tpu.memory_space<vmem>>, %arg25: memref<2x3200xf32, #tpu.memory_space<vmem>>, %arg26: memref<2x3200xf32, #tpu.memory_space<vmem>>, %arg27: memref<2x3200xf32, #tpu.memory_space<vmem>>, %arg28: memref<2x3200xf32, #tpu.memory_space<vmem>>, %arg29: memref<3200xf32, #tpu.memory_space<vmem>>, %arg30: memref<10000xf32, #tpu.memory_space<vmem_shared>>, %arg31: memref<10000xf32, #tpu.memory_space<vmem_shared>>, %arg32: memref<10000xf32, #tpu.memory_space<vmem_shared>>, %arg33: memref<50000xf32, #tpu.memory_space<vmem_shared>>, %arg34: memref<50000xf32, #tpu.memory_space<vmem_shared>>, %arg35: memref<!tpu.dma_semaphore, #tpu.memory_space<semaphore_mem>>, %arg36: memref<!tpu.dma_semaphore, #tpu.memory_space<semaphore_mem>>) attributes {dimension_semantics = [#tpu.dimension_semantics<core_parallel>, #tpu.dimension_semantics<subcore_parallel>], iteration_bounds = array<i64: 2, 16>, scalar_prefetch = 0 : i64, scratch_operands = 19 : i64, tpu.core_type = #tpu.core_type<sc_vector_subcore>, window_params = [{transform_indices = #map}, {transform_indices = #map}, {transform_indices = #map}, {transform_indices = #map}, {transform_indices = #map}, {transform_indices = #map}, {transform_indices = #map}, {transform_indices = #map}, {transform_indices = #map}, {transform_indices = #map}, {transform_indices = #map}, {transform_indices = #map1}, {transform_indices = #map1}, {transform_indices = #map1}, {transform_indices = #map1}, {transform_indices = #map1}]} {
    "tpu.region"() ({
      %run_scoped3A = tpu.sem_alloc : memref<!tpu.dma_semaphore, #tpu.memory_space<semaphore_mem>>
      tpu.enqueue_dma source(%arg10 : memref<3200xf32, #tpu.memory_space<hbm>>) target(%arg29 : memref<3200xf32, #tpu.memory_space<vmem>>) target_semaphore(%run_scoped3A : memref<!tpu.dma_semaphore, #tpu.memory_space<semaphore_mem>>)
      tpu.wait_dma2 semaphore(%run_scoped3A : memref<!tpu.dma_semaphore, #tpu.memory_space<semaphore_mem>>) src(%arg10 : memref<3200xf32, #tpu.memory_space<hbm>>) dst(%arg29 : memref<3200xf32, #tpu.memory_space<vmem>>)
      tpu.yield
    }) : () -> ()
    "tpu.region"() ({
      %run_scoped3A = tpu.sem_alloc : memref<!tpu.dma_semaphore, #tpu.memory_space<semaphore_mem>>
      tpu.enqueue_dma source(%arg2 : memref<50000xf32, #tpu.memory_space<hbm>>) target(%arg18 : memref<50000xf32, #tpu.memory_space<vmem>>) target_semaphore(%run_scoped3A : memref<!tpu.dma_semaphore, #tpu.memory_space<semaphore_mem>>)
      tpu.wait_dma2 semaphore(%run_scoped3A : memref<!tpu.dma_semaphore, #tpu.memory_space<semaphore_mem>>) src(%arg2 : memref<50000xf32, #tpu.memory_space<hbm>>) dst(%arg18 : memref<50000xf32, #tpu.memory_space<vmem>>)
      tpu.yield
    }) : () -> ()
    %lt3A = arith.constant 5 : i32
    %lt3A_0 = arith.cmpi slt, %arg1, %lt3A : i32
    %convert_element_type3A = arith.extui %lt3A_0 : i1 to i32
    %cond3A = arith.constant 0 : i32
    %cond3A_1 = arith.cmpi ne, %convert_element_type3A, %cond3A : i32
    scf.if %cond3A_1 {
      %mul3A_139 = arith.constant 2000 : i32
      %mul3A_140 = arith.muli %arg1, %mul3A_139 : i32
      "tpu.region"() ({
        %run_scoped3A = tpu.sem_alloc : memref<!tpu.dma_semaphore, #tpu.memory_space<semaphore_mem>>
        %dma_start3A_141 = tpu.memref_slice %arg30[%mul3A_140] : memref<10000xf32, #tpu.memory_space<vmem_shared>> -> memref<2000xf32, #tpu.memory_space<vmem_shared>>
        %dma_start3A_142 = tpu.memref_slice %arg11[%mul3A_140] : memref<10000xf32, #tpu.memory_space<hbm>> -> memref<2000xf32, #tpu.memory_space<hbm>>
        tpu.enqueue_dma source(%dma_start3A_142 : memref<2000xf32, #tpu.memory_space<hbm>>) target(%dma_start3A_141 : memref<2000xf32, #tpu.memory_space<vmem_shared>>) target_semaphore(%run_scoped3A : memref<!tpu.dma_semaphore, #tpu.memory_space<semaphore_mem>>)
        %dma_wait3A = tpu.memref_slice %arg30[%mul3A_140] : memref<10000xf32, #tpu.memory_space<vmem_shared>> -> memref<2000xf32, #tpu.memory_space<vmem_shared>>
        %dma_wait3A_143 = tpu.memref_slice %arg11[%mul3A_140] : memref<10000xf32, #tpu.memory_space<hbm>> -> memref<2000xf32, #tpu.memory_space<hbm>>
        tpu.wait_dma2 semaphore(%run_scoped3A : memref<!tpu.dma_semaphore, #tpu.memory_space<semaphore_mem>>) src(%dma_wait3A_143 : memref<2000xf32, #tpu.memory_space<hbm>>) dst(%dma_wait3A : memref<2000xf32, #tpu.memory_space<vmem_shared>>)
        tpu.yield
      }) : () -> ()
    } else {
    }
    %ge3A = arith.constant 5 : i32
    %ge3A_2 = arith.cmpi sge, %arg1, %ge3A : i32
    %lt3A_3 = arith.constant 10 : i32
    %lt3A_4 = arith.cmpi slt, %arg1, %lt3A_3 : i32
    %and3A = arith.andi %ge3A_2, %lt3A_4 : i1
    %convert_element_type3A_5 = arith.extui %and3A : i1 to i32
    %cond3A_6 = arith.constant 0 : i32
    %cond3A_7 = arith.cmpi ne, %convert_element_type3A_5, %cond3A_6 : i32
    scf.if %cond3A_7 {
      %sub3A = arith.constant 5 : i32
      %sub3A_139 = arith.subi %arg1, %sub3A : i32
      %mul3A_140 = arith.constant 2000 : i32
      %mul3A_141 = arith.muli %sub3A_139, %mul3A_140 : i32
      "tpu.region"() ({
        %run_scoped3A = tpu.sem_alloc : memref<!tpu.dma_semaphore, #tpu.memory_space<semaphore_mem>>
        %dma_start3A_142 = tpu.memref_slice %arg31[%mul3A_141] : memref<10000xf32, #tpu.memory_space<vmem_shared>> -> memref<2000xf32, #tpu.memory_space<vmem_shared>>
        %dma_start3A_143 = tpu.memref_slice %arg11[%mul3A_141] : memref<10000xf32, #tpu.memory_space<hbm>> -> memref<2000xf32, #tpu.memory_space<hbm>>
        tpu.enqueue_dma source(%dma_start3A_143 : memref<2000xf32, #tpu.memory_space<hbm>>) target(%dma_start3A_142 : memref<2000xf32, #tpu.memory_space<vmem_shared>>) target_semaphore(%run_scoped3A : memref<!tpu.dma_semaphore, #tpu.memory_space<semaphore_mem>>)
        %dma_wait3A = tpu.memref_slice %arg31[%mul3A_141] : memref<10000xf32, #tpu.memory_space<vmem_shared>> -> memref<2000xf32, #tpu.memory_space<vmem_shared>>
        %dma_wait3A_144 = tpu.memref_slice %arg11[%mul3A_141] : memref<10000xf32, #tpu.memory_space<hbm>> -> memref<2000xf32, #tpu.memory_space<hbm>>
        tpu.wait_dma2 semaphore(%run_scoped3A : memref<!tpu.dma_semaphore, #tpu.memory_space<semaphore_mem>>) src(%dma_wait3A_144 : memref<2000xf32, #tpu.memory_space<hbm>>) dst(%dma_wait3A : memref<2000xf32, #tpu.memory_space<vmem_shared>>)
        tpu.yield
      }) : () -> ()
    } else {
    }
    %ge3A_8 = arith.constant 10 : i32
    %ge3A_9 = arith.cmpi sge, %arg1, %ge3A_8 : i32
    %lt3A_10 = arith.constant 15 : i32
    %lt3A_11 = arith.cmpi slt, %arg1, %lt3A_10 : i32
    %and3A_12 = arith.andi %ge3A_9, %lt3A_11 : i1
    %convert_element_type3A_13 = arith.extui %and3A_12 : i1 to i32
    %cond3A_14 = arith.constant 0 : i32
    %cond3A_15 = arith.cmpi ne, %convert_element_type3A_13, %cond3A_14 : i32
    scf.if %cond3A_15 {
      %sub3A = arith.constant 10 : i32
      %sub3A_139 = arith.subi %arg1, %sub3A : i32
      %mul3A_140 = arith.constant 2000 : i32
      %mul3A_141 = arith.muli %sub3A_139, %mul3A_140 : i32
      "tpu.region"() ({
        %run_scoped3A = tpu.sem_alloc : memref<!tpu.dma_semaphore, #tpu.memory_space<semaphore_mem>>
        %dma_start3A_142 = tpu.memref_slice %arg32[%mul3A_141] : memref<10000xf32, #tpu.memory_space<vmem_shared>> -> memref<2000xf32, #tpu.memory_space<vmem_shared>>
        %dma_start3A_143 = tpu.memref_slice %arg11[%mul3A_141] : memref<10000xf32, #tpu.memory_space<hbm>> -> memref<2000xf32, #tpu.memory_space<hbm>>
        tpu.enqueue_dma source(%dma_start3A_143 : memref<2000xf32, #tpu.memory_space<hbm>>) target(%dma_start3A_142 : memref<2000xf32, #tpu.memory_space<vmem_shared>>) target_semaphore(%run_scoped3A : memref<!tpu.dma_semaphore, #tpu.memory_space<semaphore_mem>>)
        %dma_wait3A = tpu.memref_slice %arg32[%mul3A_141] : memref<10000xf32, #tpu.memory_space<vmem_shared>> -> memref<2000xf32, #tpu.memory_space<vmem_shared>>
        %dma_wait3A_144 = tpu.memref_slice %arg11[%mul3A_141] : memref<10000xf32, #tpu.memory_space<hbm>> -> memref<2000xf32, #tpu.memory_space<hbm>>
        tpu.wait_dma2 semaphore(%run_scoped3A : memref<!tpu.dma_semaphore, #tpu.memory_space<semaphore_mem>>) src(%dma_wait3A_144 : memref<2000xf32, #tpu.memory_space<hbm>>) dst(%dma_wait3A : memref<2000xf32, #tpu.memory_space<vmem_shared>>)
        tpu.yield
      }) : () -> ()
    } else {
    }
    %lt3A_16 = arith.constant 2 : i32
    %lt3A_17 = arith.cmpi slt, %arg1, %lt3A_16 : i32
    %convert_element_type3A_18 = arith.extui %lt3A_17 : i1 to i32
    %cond3A_19 = arith.constant 0 : i32
    %cond3A_20 = arith.cmpi ne, %convert_element_type3A_18, %cond3A_19 : i32
    scf.if %cond3A_20 {
      %mul3A_139 = arith.constant 25000 : i32
      %mul3A_140 = arith.muli %arg1, %mul3A_139 : i32
      "tpu.region"() ({
        %run_scoped3A = tpu.sem_alloc : memref<!tpu.dma_semaphore, #tpu.memory_space<semaphore_mem>>
        %dma_start3A_141 = tpu.memref_slice %arg33[%mul3A_140] : memref<50000xf32, #tpu.memory_space<vmem_shared>> -> memref<25000xf32, #tpu.memory_space<vmem_shared>>
        %dma_start3A_142 = tpu.memref_slice %arg12[%mul3A_140] : memref<50000xf32, #tpu.memory_space<hbm>> -> memref<25000xf32, #tpu.memory_space<hbm>>
        tpu.enqueue_dma source(%dma_start3A_142 : memref<25000xf32, #tpu.memory_space<hbm>>) target(%dma_start3A_141 : memref<25000xf32, #tpu.memory_space<vmem_shared>>) target_semaphore(%run_scoped3A : memref<!tpu.dma_semaphore, #tpu.memory_space<semaphore_mem>>)
        %dma_wait3A = tpu.memref_slice %arg33[%mul3A_140] : memref<50000xf32, #tpu.memory_space<vmem_shared>> -> memref<25000xf32, #tpu.memory_space<vmem_shared>>
        %dma_wait3A_143 = tpu.memref_slice %arg12[%mul3A_140] : memref<50000xf32, #tpu.memory_space<hbm>> -> memref<25000xf32, #tpu.memory_space<hbm>>
        tpu.wait_dma2 semaphore(%run_scoped3A : memref<!tpu.dma_semaphore, #tpu.memory_space<semaphore_mem>>) src(%dma_wait3A_143 : memref<25000xf32, #tpu.memory_space<hbm>>) dst(%dma_wait3A : memref<25000xf32, #tpu.memory_space<vmem_shared>>)
        tpu.yield
      }) : () -> ()
    } else {
    }
    %ge3A_21 = arith.constant 2 : i32
    %ge3A_22 = arith.cmpi sge, %arg1, %ge3A_21 : i32
    %lt3A_23 = arith.constant 4 : i32
    %lt3A_24 = arith.cmpi slt, %arg1, %lt3A_23 : i32
    %and3A_25 = arith.andi %ge3A_22, %lt3A_24 : i1
    %convert_element_type3A_26 = arith.extui %and3A_25 : i1 to i32
    %cond3A_27 = arith.constant 0 : i32
    %cond3A_28 = arith.cmpi ne, %convert_element_type3A_26, %cond3A_27 : i32
    scf.if %cond3A_28 {
      %sub3A = arith.constant 2 : i32
      %sub3A_139 = arith.subi %arg1, %sub3A : i32
      %mul3A_140 = arith.constant 25000 : i32
      %mul3A_141 = arith.muli %sub3A_139, %mul3A_140 : i32
      "tpu.region"() ({
        %run_scoped3A = tpu.sem_alloc : memref<!tpu.dma_semaphore, #tpu.memory_space<semaphore_mem>>
        %dma_start3A_142 = tpu.memref_slice %arg34[%mul3A_141] : memref<50000xf32, #tpu.memory_space<vmem_shared>> -> memref<25000xf32, #tpu.memory_space<vmem_shared>>
        %dma_start3A_143 = tpu.memref_slice %arg12[%mul3A_141] : memref<50000xf32, #tpu.memory_space<hbm>> -> memref<25000xf32, #tpu.memory_space<hbm>>
        tpu.enqueue_dma source(%dma_start3A_143 : memref<25000xf32, #tpu.memory_space<hbm>>) target(%dma_start3A_142 : memref<25000xf32, #tpu.memory_space<vmem_shared>>) target_semaphore(%run_scoped3A : memref<!tpu.dma_semaphore, #tpu.memory_space<semaphore_mem>>)
        %dma_wait3A = tpu.memref_slice %arg34[%mul3A_141] : memref<50000xf32, #tpu.memory_space<vmem_shared>> -> memref<25000xf32, #tpu.memory_space<vmem_shared>>
        %dma_wait3A_144 = tpu.memref_slice %arg12[%mul3A_141] : memref<50000xf32, #tpu.memory_space<hbm>> -> memref<25000xf32, #tpu.memory_space<hbm>>
        tpu.wait_dma2 semaphore(%run_scoped3A : memref<!tpu.dma_semaphore, #tpu.memory_space<semaphore_mem>>) src(%dma_wait3A_144 : memref<25000xf32, #tpu.memory_space<hbm>>) dst(%dma_wait3A : memref<25000xf32, #tpu.memory_space<vmem_shared>>)
        tpu.yield
      }) : () -> ()
    } else {
    }
    %barrier3A = arith.constant 0 : index
    tpu.barrier barrier_id(%barrier3A)
    %mul3A = arith.constant 2 : i32
    %mul3A_29 = arith.muli %arg1, %mul3A : i32
    %add3A = arith.addi %mul3A_29, %arg0 : i32
    %iota3A = tpu.iota {dimensions = array<i32: 0>} : vector<16xi32>
    %mul3A_30 = arith.constant 3200 : i32
    %mul3A_31 = arith.muli %add3A, %mul3A_30 : i32
    %dma_start3A = arith.constant 0 : i32
    %dma_start3A_32 = arith.constant 0 : i32
    %dma_start3A_33 = tpu.memref_slice %arg19[%dma_start3A, %dma_start3A_32] : memref<2x3200xi32, #tpu.memory_space<vmem>> -> memref<1x3200xi32, #tpu.memory_space<vmem>>
    %dma_start3A_34 = tpu.memref_squeeze %dma_start3A_33 : memref<1x3200xi32, #tpu.memory_space<vmem>> -> memref<3200xi32, #tpu.memory_space<vmem>>
    %dma_start3A_35 = tpu.memref_slice %arg3[%mul3A_31] : memref<800000xi32, #tpu.memory_space<hbm>> -> memref<3200xi32, #tpu.memory_space<hbm>>
    %dma_start3A_36 = arith.constant 0 : i32
    %dma_start3A_37 = tpu.memref_slice %arg19[%dma_start3A, %dma_start3A_36] : memref<2x3200xi32, #tpu.memory_space<vmem>> -> memref<1x3200xi32, #tpu.memory_space<vmem>>
    %dma_start3A_38 = tpu.memref_squeeze %dma_start3A_37 : memref<1x3200xi32, #tpu.memory_space<vmem>> -> memref<3200xi32, #tpu.memory_space<vmem>>
    %dma_start3A_39 = tpu.memref_slice %arg3[%mul3A_31] : memref<800000xi32, #tpu.memory_space<hbm>> -> memref<3200xi32, #tpu.memory_space<hbm>>
    tpu.enqueue_dma source(%dma_start3A_39 : memref<3200xi32, #tpu.memory_space<hbm>>) target(%dma_start3A_38 : memref<3200xi32, #tpu.memory_space<vmem>>) target_semaphore(%arg35 : memref<!tpu.dma_semaphore, #tpu.memory_space<semaphore_mem>>)
    %mul3A_40 = arith.constant 3200 : i32
    %mul3A_41 = arith.muli %add3A, %mul3A_40 : i32
    %dma_start3A_42 = arith.constant 0 : i32
    %dma_start3A_43 = arith.constant 0 : i32
    %dma_start3A_44 = tpu.memref_slice %arg20[%dma_start3A_42, %dma_start3A_43] : memref<2x3200xi32, #tpu.memory_space<vmem>> -> memref<1x3200xi32, #tpu.memory_space<vmem>>
    %dma_start3A_45 = tpu.memref_squeeze %dma_start3A_44 : memref<1x3200xi32, #tpu.memory_space<vmem>> -> memref<3200xi32, #tpu.memory_space<vmem>>
    %dma_start3A_46 = tpu.memref_slice %arg4[%mul3A_41] : memref<800000xi32, #tpu.memory_space<hbm>> -> memref<3200xi32, #tpu.memory_space<hbm>>
    %dma_start3A_47 = arith.constant 0 : i32
    %dma_start3A_48 = tpu.memref_slice %arg20[%dma_start3A_42, %dma_start3A_47] : memref<2x3200xi32, #tpu.memory_space<vmem>> -> memref<1x3200xi32, #tpu.memory_space<vmem>>
    %dma_start3A_49 = tpu.memref_squeeze %dma_start3A_48 : memref<1x3200xi32, #tpu.memory_space<vmem>> -> memref<3200xi32, #tpu.memory_space<vmem>>
    %dma_start3A_50 = tpu.memref_slice %arg4[%mul3A_41] : memref<800000xi32, #tpu.memory_space<hbm>> -> memref<3200xi32, #tpu.memory_space<hbm>>
    tpu.enqueue_dma source(%dma_start3A_50 : memref<3200xi32, #tpu.memory_space<hbm>>) target(%dma_start3A_49 : memref<3200xi32, #tpu.memory_space<vmem>>) target_semaphore(%arg35 : memref<!tpu.dma_semaphore, #tpu.memory_space<semaphore_mem>>)
    %mul3A_51 = arith.constant 3200 : i32
    %mul3A_52 = arith.muli %add3A, %mul3A_51 : i32
    %dma_start3A_53 = arith.constant 0 : i32
    %dma_start3A_54 = arith.constant 0 : i32
    %dma_start3A_55 = tpu.memref_slice %arg21[%dma_start3A_53, %dma_start3A_54] : memref<2x3200xi32, #tpu.memory_space<vmem>> -> memref<1x3200xi32, #tpu.memory_space<vmem>>
    %dma_start3A_56 = tpu.memref_squeeze %dma_start3A_55 : memref<1x3200xi32, #tpu.memory_space<vmem>> -> memref<3200xi32, #tpu.memory_space<vmem>>
    %dma_start3A_57 = tpu.memref_slice %arg5[%mul3A_52] : memref<800000xi32, #tpu.memory_space<hbm>> -> memref<3200xi32, #tpu.memory_space<hbm>>
    %dma_start3A_58 = arith.constant 0 : i32
    %dma_start3A_59 = tpu.memref_slice %arg21[%dma_start3A_53, %dma_start3A_58] : memref<2x3200xi32, #tpu.memory_space<vmem>> -> memref<1x3200xi32, #tpu.memory_space<vmem>>
    %dma_start3A_60 = tpu.memref_squeeze %dma_start3A_59 : memref<1x3200xi32, #tpu.memory_space<vmem>> -> memref<3200xi32, #tpu.memory_space<vmem>>
    %dma_start3A_61 = tpu.memref_slice %arg5[%mul3A_52] : memref<800000xi32, #tpu.memory_space<hbm>> -> memref<3200xi32, #tpu.memory_space<hbm>>
    tpu.enqueue_dma source(%dma_start3A_61 : memref<3200xi32, #tpu.memory_space<hbm>>) target(%dma_start3A_60 : memref<3200xi32, #tpu.memory_space<vmem>>) target_semaphore(%arg35 : memref<!tpu.dma_semaphore, #tpu.memory_space<semaphore_mem>>)
    %mul3A_62 = arith.constant 3200 : i32
    %mul3A_63 = arith.muli %add3A, %mul3A_62 : i32
    %dma_start3A_64 = arith.constant 0 : i32
    %dma_start3A_65 = arith.constant 0 : i32
    %dma_start3A_66 = tpu.memref_slice %arg22[%dma_start3A_64, %dma_start3A_65] : memref<2x3200xf32, #tpu.memory_space<vmem>> -> memref<1x3200xf32, #tpu.memory_space<vmem>>
    %dma_start3A_67 = tpu.memref_squeeze %dma_start3A_66 : memref<1x3200xf32, #tpu.memory_space<vmem>> -> memref<3200xf32, #tpu.memory_space<vmem>>
    %dma_start3A_68 = tpu.memref_slice %arg6[%mul3A_63] : memref<800000xf32, #tpu.memory_space<hbm>> -> memref<3200xf32, #tpu.memory_space<hbm>>
    %dma_start3A_69 = arith.constant 0 : i32
    %dma_start3A_70 = tpu.memref_slice %arg22[%dma_start3A_64, %dma_start3A_69] : memref<2x3200xf32, #tpu.memory_space<vmem>> -> memref<1x3200xf32, #tpu.memory_space<vmem>>
    %dma_start3A_71 = tpu.memref_squeeze %dma_start3A_70 : memref<1x3200xf32, #tpu.memory_space<vmem>> -> memref<3200xf32, #tpu.memory_space<vmem>>
    %dma_start3A_72 = tpu.memref_slice %arg6[%mul3A_63] : memref<800000xf32, #tpu.memory_space<hbm>> -> memref<3200xf32, #tpu.memory_space<hbm>>
    tpu.enqueue_dma source(%dma_start3A_72 : memref<3200xf32, #tpu.memory_space<hbm>>) target(%dma_start3A_71 : memref<3200xf32, #tpu.memory_space<vmem>>) target_semaphore(%arg35 : memref<!tpu.dma_semaphore, #tpu.memory_space<semaphore_mem>>)
    %mul3A_73 = arith.constant 3200 : i32
    %mul3A_74 = arith.muli %add3A, %mul3A_73 : i32
    %dma_start3A_75 = arith.constant 0 : i32
    %dma_start3A_76 = arith.constant 0 : i32
    %dma_start3A_77 = tpu.memref_slice %arg23[%dma_start3A_75, %dma_start3A_76] : memref<2x3200xf32, #tpu.memory_space<vmem>> -> memref<1x3200xf32, #tpu.memory_space<vmem>>
    %dma_start3A_78 = tpu.memref_squeeze %dma_start3A_77 : memref<1x3200xf32, #tpu.memory_space<vmem>> -> memref<3200xf32, #tpu.memory_space<vmem>>
    %dma_start3A_79 = tpu.memref_slice %arg7[%mul3A_74] : memref<800000xf32, #tpu.memory_space<hbm>> -> memref<3200xf32, #tpu.memory_space<hbm>>
    %dma_start3A_80 = arith.constant 0 : i32
    %dma_start3A_81 = tpu.memref_slice %arg23[%dma_start3A_75, %dma_start3A_80] : memref<2x3200xf32, #tpu.memory_space<vmem>> -> memref<1x3200xf32, #tpu.memory_space<vmem>>
    %dma_start3A_82 = tpu.memref_squeeze %dma_start3A_81 : memref<1x3200xf32, #tpu.memory_space<vmem>> -> memref<3200xf32, #tpu.memory_space<vmem>>
    %dma_start3A_83 = tpu.memref_slice %arg7[%mul3A_74] : memref<800000xf32, #tpu.memory_space<hbm>> -> memref<3200xf32, #tpu.memory_space<hbm>>
    tpu.enqueue_dma source(%dma_start3A_83 : memref<3200xf32, #tpu.memory_space<hbm>>) target(%dma_start3A_82 : memref<3200xf32, #tpu.memory_space<vmem>>) target_semaphore(%arg35 : memref<!tpu.dma_semaphore, #tpu.memory_space<semaphore_mem>>)
    %mul3A_84 = arith.constant 3200 : i32
    %mul3A_85 = arith.muli %add3A, %mul3A_84 : i32
    %dma_start3A_86 = arith.constant 0 : i32
    %dma_start3A_87 = arith.constant 0 : i32
    %dma_start3A_88 = tpu.memref_slice %arg24[%dma_start3A_86, %dma_start3A_87] : memref<2x3200xf32, #tpu.memory_space<vmem>> -> memref<1x3200xf32, #tpu.memory_space<vmem>>
    %dma_start3A_89 = tpu.memref_squeeze %dma_start3A_88 : memref<1x3200xf32, #tpu.memory_space<vmem>> -> memref<3200xf32, #tpu.memory_space<vmem>>
    %dma_start3A_90 = tpu.memref_slice %arg8[%mul3A_85] : memref<800000xf32, #tpu.memory_space<hbm>> -> memref<3200xf32, #tpu.memory_space<hbm>>
    %dma_start3A_91 = arith.constant 0 : i32
    %dma_start3A_92 = tpu.memref_slice %arg24[%dma_start3A_86, %dma_start3A_91] : memref<2x3200xf32, #tpu.memory_space<vmem>> -> memref<1x3200xf32, #tpu.memory_space<vmem>>
    %dma_start3A_93 = tpu.memref_squeeze %dma_start3A_92 : memref<1x3200xf32, #tpu.memory_space<vmem>> -> memref<3200xf32, #tpu.memory_space<vmem>>
    %dma_start3A_94 = tpu.memref_slice %arg8[%mul3A_85] : memref<800000xf32, #tpu.memory_space<hbm>> -> memref<3200xf32, #tpu.memory_space<hbm>>
    tpu.enqueue_dma source(%dma_start3A_94 : memref<3200xf32, #tpu.memory_space<hbm>>) target(%dma_start3A_93 : memref<3200xf32, #tpu.memory_space<vmem>>) target_semaphore(%arg35 : memref<!tpu.dma_semaphore, #tpu.memory_space<semaphore_mem>>)
    %mul3A_95 = arith.constant 3200 : i32
    %mul3A_96 = arith.muli %add3A, %mul3A_95 : i32
    %dma_start3A_97 = arith.constant 0 : i32
    %dma_start3A_98 = arith.constant 0 : i32
    %dma_start3A_99 = tpu.memref_slice %arg25[%dma_start3A_97, %dma_start3A_98] : memref<2x3200xf32, #tpu.memory_space<vmem>> -> memref<1x3200xf32, #tpu.memory_space<vmem>>
    %dma_start3A_100 = tpu.memref_squeeze %dma_start3A_99 : memref<1x3200xf32, #tpu.memory_space<vmem>> -> memref<3200xf32, #tpu.memory_space<vmem>>
    %dma_start3A_101 = tpu.memref_slice %arg9[%mul3A_96] : memref<800000xf32, #tpu.memory_space<hbm>> -> memref<3200xf32, #tpu.memory_space<hbm>>
    %dma_start3A_102 = arith.constant 0 : i32
    %dma_start3A_103 = tpu.memref_slice %arg25[%dma_start3A_97, %dma_start3A_102] : memref<2x3200xf32, #tpu.memory_space<vmem>> -> memref<1x3200xf32, #tpu.memory_space<vmem>>
    %dma_start3A_104 = tpu.memref_squeeze %dma_start3A_103 : memref<1x3200xf32, #tpu.memory_space<vmem>> -> memref<3200xf32, #tpu.memory_space<vmem>>
    %dma_start3A_105 = tpu.memref_slice %arg9[%mul3A_96] : memref<800000xf32, #tpu.memory_space<hbm>> -> memref<3200xf32, #tpu.memory_space<hbm>>
    tpu.enqueue_dma source(%dma_start3A_105 : memref<3200xf32, #tpu.memory_space<hbm>>) target(%dma_start3A_104 : memref<3200xf32, #tpu.memory_space<vmem>>) target_semaphore(%arg35 : memref<!tpu.dma_semaphore, #tpu.memory_space<semaphore_mem>>)
    %scan3A = arith.constant 0 : i32
    %scan3A_106 = arith.constant 0 : i32
    %scan3A_107 = arith.constant 8 : i32
    %scan3A_108 = arith.addi %scan3A_106, %scan3A_107 : i32
    %scan3A_109 = arith.constant 1 : i32
    %scan3A_110 = scf.for %scan3A_139 = %scan3A_106 to %scan3A_108 step %scan3A_109 iter_args(%scan3A_140 = %scan3A) -> (i32)  : i32 {
      %rem3A = arith.constant 2 : i32
      %rem3A_141 = arith.remsi %scan3A_139, %rem3A : i32
      %mul3A_142 = arith.constant 32 : i32
      %mul3A_143 = arith.muli %scan3A_139, %mul3A_142 : i32
      %add3A_144 = arith.addi %mul3A_143, %add3A : i32
      %lt3A_145 = arith.constant 250 : i32
      %lt3A_146 = arith.cmpi slt, %add3A_144, %lt3A_145 : i32
      %convert_element_type3A_147 = arith.extui %lt3A_146 : i1 to i32
      %cond3A_148 = arith.constant 0 : i32
      %cond3A_149 = arith.cmpi ne, %convert_element_type3A_147, %cond3A_148 : i32
      scf.if %cond3A_149 {
        %mul3A_164 = arith.constant 3200 : i32
        %mul3A_165 = arith.muli %add3A_144, %mul3A_164 : i32
        %dma_wait3A = arith.constant 0 : i32
        %dma_wait3A_166 = tpu.memref_slice %arg19[%rem3A_141, %dma_wait3A] : memref<2x3200xi32, #tpu.memory_space<vmem>> -> memref<1x3200xi32, #tpu.memory_space<vmem>>
        %dma_wait3A_167 = tpu.memref_squeeze %dma_wait3A_166 : memref<1x3200xi32, #tpu.memory_space<vmem>> -> memref<3200xi32, #tpu.memory_space<vmem>>
        %dma_wait3A_168 = tpu.memref_slice %arg3[%mul3A_165] : memref<800000xi32, #tpu.memory_space<hbm>> -> memref<3200xi32, #tpu.memory_space<hbm>>
        %dma_wait3A_169 = arith.constant 0 : i32
        %dma_wait3A_170 = tpu.memref_slice %arg19[%rem3A_141, %dma_wait3A_169] : memref<2x3200xi32, #tpu.memory_space<vmem>> -> memref<1x3200xi32, #tpu.memory_space<vmem>>
        %dma_wait3A_171 = tpu.memref_squeeze %dma_wait3A_170 : memref<1x3200xi32, #tpu.memory_space<vmem>> -> memref<3200xi32, #tpu.memory_space<vmem>>
        %dma_wait3A_172 = tpu.memref_slice %arg3[%mul3A_165] : memref<800000xi32, #tpu.memory_space<hbm>> -> memref<3200xi32, #tpu.memory_space<hbm>>
        tpu.wait_dma2 semaphore(%arg35 : memref<!tpu.dma_semaphore, #tpu.memory_space<semaphore_mem>>) src(%dma_wait3A_172 : memref<3200xi32, #tpu.memory_space<hbm>>) dst(%dma_wait3A_171 : memref<3200xi32, #tpu.memory_space<vmem>>)
        %mul3A_173 = arith.constant 3200 : i32
        %mul3A_174 = arith.muli %add3A_144, %mul3A_173 : i32
        %dma_wait3A_175 = arith.constant 0 : i32
        %dma_wait3A_176 = tpu.memref_slice %arg20[%rem3A_141, %dma_wait3A_175] : memref<2x3200xi32, #tpu.memory_space<vmem>> -> memref<1x3200xi32, #tpu.memory_space<vmem>>
        %dma_wait3A_177 = tpu.memref_squeeze %dma_wait3A_176 : memref<1x3200xi32, #tpu.memory_space<vmem>> -> memref<3200xi32, #tpu.memory_space<vmem>>
        %dma_wait3A_178 = tpu.memref_slice %arg4[%mul3A_174] : memref<800000xi32, #tpu.memory_space<hbm>> -> memref<3200xi32, #tpu.memory_space<hbm>>
        %dma_wait3A_179 = arith.constant 0 : i32
        %dma_wait3A_180 = tpu.memref_slice %arg20[%rem3A_141, %dma_wait3A_179] : memref<2x3200xi32, #tpu.memory_space<vmem>> -> memref<1x3200xi32, #tpu.memory_space<vmem>>
        %dma_wait3A_181 = tpu.memref_squeeze %dma_wait3A_180 : memref<1x3200xi32, #tpu.memory_space<vmem>> -> memref<3200xi32, #tpu.memory_space<vmem>>
        %dma_wait3A_182 = tpu.memref_slice %arg4[%mul3A_174] : memref<800000xi32, #tpu.memory_space<hbm>> -> memref<3200xi32, #tpu.memory_space<hbm>>
        tpu.wait_dma2 semaphore(%arg35 : memref<!tpu.dma_semaphore, #tpu.memory_space<semaphore_mem>>) src(%dma_wait3A_182 : memref<3200xi32, #tpu.memory_space<hbm>>) dst(%dma_wait3A_181 : memref<3200xi32, #tpu.memory_space<vmem>>)
        %mul3A_183 = arith.constant 3200 : i32
        %mul3A_184 = arith.muli %add3A_144, %mul3A_183 : i32
        %dma_wait3A_185 = arith.constant 0 : i32
        %dma_wait3A_186 = tpu.memref_slice %arg21[%rem3A_141, %dma_wait3A_185] : memref<2x3200xi32, #tpu.memory_space<vmem>> -> memref<1x3200xi32, #tpu.memory_space<vmem>>
        %dma_wait3A_187 = tpu.memref_squeeze %dma_wait3A_186 : memref<1x3200xi32, #tpu.memory_space<vmem>> -> memref<3200xi32, #tpu.memory_space<vmem>>
        %dma_wait3A_188 = tpu.memref_slice %arg5[%mul3A_184] : memref<800000xi32, #tpu.memory_space<hbm>> -> memref<3200xi32, #tpu.memory_space<hbm>>
        %dma_wait3A_189 = arith.constant 0 : i32
        %dma_wait3A_190 = tpu.memref_slice %arg21[%rem3A_141, %dma_wait3A_189] : memref<2x3200xi32, #tpu.memory_space<vmem>> -> memref<1x3200xi32, #tpu.memory_space<vmem>>
        %dma_wait3A_191 = tpu.memref_squeeze %dma_wait3A_190 : memref<1x3200xi32, #tpu.memory_space<vmem>> -> memref<3200xi32, #tpu.memory_space<vmem>>
        %dma_wait3A_192 = tpu.memref_slice %arg5[%mul3A_184] : memref<800000xi32, #tpu.memory_space<hbm>> -> memref<3200xi32, #tpu.memory_space<hbm>>
        tpu.wait_dma2 semaphore(%arg35 : memref<!tpu.dma_semaphore, #tpu.memory_space<semaphore_mem>>) src(%dma_wait3A_192 : memref<3200xi32, #tpu.memory_space<hbm>>) dst(%dma_wait3A_191 : memref<3200xi32, #tpu.memory_space<vmem>>)
        %mul3A_193 = arith.constant 3200 : i32
        %mul3A_194 = arith.muli %add3A_144, %mul3A_193 : i32
        %dma_wait3A_195 = arith.constant 0 : i32
        %dma_wait3A_196 = tpu.memref_slice %arg22[%rem3A_141, %dma_wait3A_195] : memref<2x3200xf32, #tpu.memory_space<vmem>> -> memref<1x3200xf32, #tpu.memory_space<vmem>>
        %dma_wait3A_197 = tpu.memref_squeeze %dma_wait3A_196 : memref<1x3200xf32, #tpu.memory_space<vmem>> -> memref<3200xf32, #tpu.memory_space<vmem>>
        %dma_wait3A_198 = tpu.memref_slice %arg6[%mul3A_194] : memref<800000xf32, #tpu.memory_space<hbm>> -> memref<3200xf32, #tpu.memory_space<hbm>>
        %dma_wait3A_199 = arith.constant 0 : i32
        %dma_wait3A_200 = tpu.memref_slice %arg22[%rem3A_141, %dma_wait3A_199] : memref<2x3200xf32, #tpu.memory_space<vmem>> -> memref<1x3200xf32, #tpu.memory_space<vmem>>
        %dma_wait3A_201 = tpu.memref_squeeze %dma_wait3A_200 : memref<1x3200xf32, #tpu.memory_space<vmem>> -> memref<3200xf32, #tpu.memory_space<vmem>>
        %dma_wait3A_202 = tpu.memref_slice %arg6[%mul3A_194] : memref<800000xf32, #tpu.memory_space<hbm>> -> memref<3200xf32, #tpu.memory_space<hbm>>
        tpu.wait_dma2 semaphore(%arg35 : memref<!tpu.dma_semaphore, #tpu.memory_space<semaphore_mem>>) src(%dma_wait3A_202 : memref<3200xf32, #tpu.memory_space<hbm>>) dst(%dma_wait3A_201 : memref<3200xf32, #tpu.memory_space<vmem>>)
        %mul3A_203 = arith.constant 3200 : i32
        %mul3A_204 = arith.muli %add3A_144, %mul3A_203 : i32
        %dma_wait3A_205 = arith.constant 0 : i32
        %dma_wait3A_206 = tpu.memref_slice %arg23[%rem3A_141, %dma_wait3A_205] : memref<2x3200xf32, #tpu.memory_space<vmem>> -> memref<1x3200xf32, #tpu.memory_space<vmem>>
        %dma_wait3A_207 = tpu.memref_squeeze %dma_wait3A_206 : memref<1x3200xf32, #tpu.memory_space<vmem>> -> memref<3200xf32, #tpu.memory_space<vmem>>
        %dma_wait3A_208 = tpu.memref_slice %arg7[%mul3A_204] : memref<800000xf32, #tpu.memory_space<hbm>> -> memref<3200xf32, #tpu.memory_space<hbm>>
        %dma_wait3A_209 = arith.constant 0 : i32
        %dma_wait3A_210 = tpu.memref_slice %arg23[%rem3A_141, %dma_wait3A_209] : memref<2x3200xf32, #tpu.memory_space<vmem>> -> memref<1x3200xf32, #tpu.memory_space<vmem>>
        %dma_wait3A_211 = tpu.memref_squeeze %dma_wait3A_210 : memref<1x3200xf32, #tpu.memory_space<vmem>> -> memref<3200xf32, #tpu.memory_space<vmem>>
        %dma_wait3A_212 = tpu.memref_slice %arg7[%mul3A_204] : memref<800000xf32, #tpu.memory_space<hbm>> -> memref<3200xf32, #tpu.memory_space<hbm>>
        tpu.wait_dma2 semaphore(%arg35 : memref<!tpu.dma_semaphore, #tpu.memory_space<semaphore_mem>>) src(%dma_wait3A_212 : memref<3200xf32, #tpu.memory_space<hbm>>) dst(%dma_wait3A_211 : memref<3200xf32, #tpu.memory_space<vmem>>)
        %mul3A_213 = arith.constant 3200 : i32
        %mul3A_214 = arith.muli %add3A_144, %mul3A_213 : i32
        %dma_wait3A_215 = arith.constant 0 : i32
        %dma_wait3A_216 = tpu.memref_slice %arg24[%rem3A_141, %dma_wait3A_215] : memref<2x3200xf32, #tpu.memory_space<vmem>> -> memref<1x3200xf32, #tpu.memory_space<vmem>>
        %dma_wait3A_217 = tpu.memref_squeeze %dma_wait3A_216 : memref<1x3200xf32, #tpu.memory_space<vmem>> -> memref<3200xf32, #tpu.memory_space<vmem>>
        %dma_wait3A_218 = tpu.memref_slice %arg8[%mul3A_214] : memref<800000xf32, #tpu.memory_space<hbm>> -> memref<3200xf32, #tpu.memory_space<hbm>>
        %dma_wait3A_219 = arith.constant 0 : i32
        %dma_wait3A_220 = tpu.memref_slice %arg24[%rem3A_141, %dma_wait3A_219] : memref<2x3200xf32, #tpu.memory_space<vmem>> -> memref<1x3200xf32, #tpu.memory_space<vmem>>
        %dma_wait3A_221 = tpu.memref_squeeze %dma_wait3A_220 : memref<1x3200xf32, #tpu.memory_space<vmem>> -> memref<3200xf32, #tpu.memory_space<vmem>>
        %dma_wait3A_222 = tpu.memref_slice %arg8[%mul3A_214] : memref<800000xf32, #tpu.memory_space<hbm>> -> memref<3200xf32, #tpu.memory_space<hbm>>
        tpu.wait_dma2 semaphore(%arg35 : memref<!tpu.dma_semaphore, #tpu.memory_space<semaphore_mem>>) src(%dma_wait3A_222 : memref<3200xf32, #tpu.memory_space<hbm>>) dst(%dma_wait3A_221 : memref<3200xf32, #tpu.memory_space<vmem>>)
        %mul3A_223 = arith.constant 3200 : i32
        %mul3A_224 = arith.muli %add3A_144, %mul3A_223 : i32
        %dma_wait3A_225 = arith.constant 0 : i32
        %dma_wait3A_226 = tpu.memref_slice %arg25[%rem3A_141, %dma_wait3A_225] : memref<2x3200xf32, #tpu.memory_space<vmem>> -> memref<1x3200xf32, #tpu.memory_space<vmem>>
        %dma_wait3A_227 = tpu.memref_squeeze %dma_wait3A_226 : memref<1x3200xf32, #tpu.memory_space<vmem>> -> memref<3200xf32, #tpu.memory_space<vmem>>
        %dma_wait3A_228 = tpu.memref_slice %arg9[%mul3A_224] : memref<800000xf32, #tpu.memory_space<hbm>> -> memref<3200xf32, #tpu.memory_space<hbm>>
        %dma_wait3A_229 = arith.constant 0 : i32
        %dma_wait3A_230 = tpu.memref_slice %arg25[%rem3A_141, %dma_wait3A_229] : memref<2x3200xf32, #tpu.memory_space<vmem>> -> memref<1x3200xf32, #tpu.memory_space<vmem>>
        %dma_wait3A_231 = tpu.memref_squeeze %dma_wait3A_230 : memref<1x3200xf32, #tpu.memory_space<vmem>> -> memref<3200xf32, #tpu.memory_space<vmem>>
        %dma_wait3A_232 = tpu.memref_slice %arg9[%mul3A_224] : memref<800000xf32, #tpu.memory_space<hbm>> -> memref<3200xf32, #tpu.memory_space<hbm>>
        tpu.wait_dma2 semaphore(%arg35 : memref<!tpu.dma_semaphore, #tpu.memory_space<semaphore_mem>>) src(%dma_wait3A_232 : memref<3200xf32, #tpu.memory_space<hbm>>) dst(%dma_wait3A_231 : memref<3200xf32, #tpu.memory_space<vmem>>)
        %scan3A_233 = arith.constant 0 : i32
        %scan3A_234 = arith.constant 0 : i32
        %scan3A_235 = arith.constant 200 : i32
        %scan3A_236 = arith.addi %scan3A_234, %scan3A_235 : i32
        %scan3A_237 = arith.constant 1 : i32
        %scan3A_238 = scf.for %scan3A_240 = %scan3A_234 to %scan3A_236 step %scan3A_237 iter_args(%scan3A_241 = %scan3A_233) -> (i32)  : i32 {
          %mul3A_242 = arith.constant 16 : i32
          %mul3A_243 = arith.muli %scan3A_240, %mul3A_242 : i32
          %get3A = arith.index_cast %rem3A_141 : i32 to index
          %get3A_244 = arith.index_cast %mul3A_243 : i32 to index
          %get3A_245 = tpu.vector_load %arg19[%get3A, %get3A_244] {strides = array<i32>} : memref<2x3200xi32, #tpu.memory_space<vmem>>, vector<16xi32>,
          %gather3A = tpu.vector_load_idx %arg18[%get3A_245] : memref<50000xf32, #tpu.memory_space<vmem>>[vector<16xi32>], vector<16xf32>,
          %get3A_246 = arith.index_cast %rem3A_141 : i32 to index
          %get3A_247 = arith.index_cast %mul3A_243 : i32 to index
          %get3A_248 = tpu.vector_load %arg22[%get3A_246, %get3A_247] {strides = array<i32>} : memref<2x3200xf32, #tpu.memory_space<vmem>>, vector<16xf32>,
          %get3A_249 = arith.index_cast %rem3A_141 : i32 to index
          %get3A_250 = arith.index_cast %mul3A_243 : i32 to index
          %get3A_251 = tpu.vector_load %arg23[%get3A_249, %get3A_250] {strides = array<i32>} : memref<2x3200xf32, #tpu.memory_space<vmem>>, vector<16xf32>,
          %get3A_252 = arith.index_cast %rem3A_141 : i32 to index
          %get3A_253 = arith.index_cast %mul3A_243 : i32 to index
          %get3A_254 = tpu.vector_load %arg24[%get3A_252, %get3A_253] {strides = array<i32>} : memref<2x3200xf32, #tpu.memory_space<vmem>>, vector<16xf32>,
          %get3A_255 = arith.index_cast %rem3A_141 : i32 to index
          %get3A_256 = arith.index_cast %mul3A_243 : i32 to index
          %get3A_257 = tpu.vector_load %arg25[%get3A_255, %get3A_256] {strides = array<i32>} : memref<2x3200xf32, #tpu.memory_space<vmem>>, vector<16xf32>,
          %swap3A = arith.index_cast %rem3A_141 : i32 to index
          %swap3A_258 = arith.index_cast %mul3A_243 : i32 to index
          %swap3A_259 = tpu.vector_load %arg26[%swap3A, %swap3A_258] {strides = array<i32>} : memref<2x3200xf32, #tpu.memory_space<vmem>>, vector<16xf32>,
          tpu.vector_store %arg26[%swap3A, %swap3A_258], %gather3A {strides = array<i32>} : memref<2x3200xf32, #tpu.memory_space<vmem>>, vector<16xf32>,
          %sub3A_260 = arith.constant 1.000000e+00 : f32
          %sub3A_261 = vector.broadcast %sub3A_260 : f32 to vector<16xf32>
          %sub3A_262 = arith.subf %sub3A_261, %get3A_251 : vector<16xf32>
          %mul3A_263 = arith.mulf %get3A_248, %sub3A_262 : vector<16xf32>
          %swap3A_264 = arith.index_cast %rem3A_141 : i32 to index
          %swap3A_265 = arith.index_cast %mul3A_243 : i32 to index
          %swap3A_266 = tpu.vector_load %arg27[%swap3A_264, %swap3A_265] {strides = array<i32>} : memref<2x3200xf32, #tpu.memory_space<vmem>>, vector<16xf32>,
          tpu.vector_store %arg27[%swap3A_264, %swap3A_265], %mul3A_263 {strides = array<i32>} : memref<2x3200xf32, #tpu.memory_space<vmem>>, vector<16xf32>,
          %sub3A_267 = arith.constant 1.000000e+00 : f32
          %sub3A_268 = vector.broadcast %sub3A_267 : f32 to vector<16xf32>
          %sub3A_269 = arith.subf %sub3A_268, %get3A_257 : vector<16xf32>
          %mul3A_270 = arith.mulf %get3A_254, %sub3A_269 : vector<16xf32>
          %swap3A_271 = arith.index_cast %rem3A_141 : i32 to index
          %swap3A_272 = arith.index_cast %mul3A_243 : i32 to index
          %swap3A_273 = tpu.vector_load %arg28[%swap3A_271, %swap3A_272] {strides = array<i32>} : memref<2x3200xf32, #tpu.memory_space<vmem>>, vector<16xf32>,
          tpu.vector_store %arg28[%swap3A_271, %swap3A_272], %mul3A_270 {strides = array<i32>} : memref<2x3200xf32, #tpu.memory_space<vmem>>, vector<16xf32>,
          %scan3A_274 = arith.constant 0 : i32
          scf.yield %scan3A_274 : i32
        }
        %scan3A_239 = arith.constant 200 : i32
      } else {
      }
      %gt3A = arith.constant 0 : i32
      %gt3A_150 = arith.cmpi sgt, %scan3A_139, %gt3A : i32
      %sub3A = arith.constant 32 : i32
      %sub3A_151 = arith.subi %add3A_144, %sub3A : i32
      %lt3A_152 = arith.constant 250 : i32
      %lt3A_153 = arith.cmpi slt, %sub3A_151, %lt3A_152 : i32
      %and3A_154 = arith.andi %gt3A_150, %lt3A_153 : i1
      %convert_element_type3A_155 = arith.extui %and3A_154 : i1 to i32
      %cond3A_156 = arith.constant 0 : i32
      %cond3A_157 = arith.cmpi ne, %convert_element_type3A_155, %cond3A_156 : i32
      scf.if %cond3A_157 {
        %sub3A_164 = arith.constant 1 : i32
        %sub3A_165 = arith.subi %sub3A_164, %rem3A_141 : i32
        %dma_wait3A = arith.constant 0 : i32
        %dma_wait3A_166 = tpu.memref_slice %arg26[%sub3A_165, %dma_wait3A] : memref<2x3200xf32, #tpu.memory_space<vmem>> -> memref<1x3200xf32, #tpu.memory_space<vmem>>
        %dma_wait3A_167 = tpu.memref_squeeze %dma_wait3A_166 : memref<1x3200xf32, #tpu.memory_space<vmem>> -> memref<3200xf32, #tpu.memory_space<vmem>>
        %dma_wait3A_168 = arith.constant 0 : i32
        %dma_wait3A_169 = tpu.memref_slice %arg20[%sub3A_165, %dma_wait3A_168] : memref<2x3200xi32, #tpu.memory_space<vmem>> -> memref<1x3200xi32, #tpu.memory_space<vmem>>
        %dma_wait3A_170 = tpu.memref_squeeze %dma_wait3A_169 : memref<1x3200xi32, #tpu.memory_space<vmem>> -> memref<3200xi32, #tpu.memory_space<vmem>>
        %dma_wait3A_171 = arith.constant 0 : i32
        %dma_wait3A_172 = tpu.memref_slice %arg30[%dma_wait3A_171] : memref<10000xf32, #tpu.memory_space<vmem_shared>> -> memref<10000xf32, #tpu.memory_space<vmem_shared>>
        tpu.wait_indirect_dma semaphore(%arg36 : memref<!tpu.dma_semaphore, #tpu.memory_space<semaphore_mem>>) src(%dma_wait3A_167 : memref<3200xf32, #tpu.memory_space<vmem>>) dst(%dma_wait3A_172 : memref<10000xf32, #tpu.memory_space<vmem_shared>>)
        %dma_wait3A_173 = arith.constant 0 : i32
        %dma_wait3A_174 = tpu.memref_slice %arg27[%sub3A_165, %dma_wait3A_173] : memref<2x3200xf32, #tpu.memory_space<vmem>> -> memref<1x3200xf32, #tpu.memory_space<vmem>>
        %dma_wait3A_175 = tpu.memref_squeeze %dma_wait3A_174 : memref<1x3200xf32, #tpu.memory_space<vmem>> -> memref<3200xf32, #tpu.memory_space<vmem>>
        %dma_wait3A_176 = arith.constant 0 : i32
        %dma_wait3A_177 = tpu.memref_slice %arg20[%sub3A_165, %dma_wait3A_176] : memref<2x3200xi32, #tpu.memory_space<vmem>> -> memref<1x3200xi32, #tpu.memory_space<vmem>>
        %dma_wait3A_178 = tpu.memref_squeeze %dma_wait3A_177 : memref<1x3200xi32, #tpu.memory_space<vmem>> -> memref<3200xi32, #tpu.memory_space<vmem>>
        %dma_wait3A_179 = arith.constant 0 : i32
        %dma_wait3A_180 = tpu.memref_slice %arg31[%dma_wait3A_179] : memref<10000xf32, #tpu.memory_space<vmem_shared>> -> memref<10000xf32, #tpu.memory_space<vmem_shared>>
        tpu.wait_indirect_dma semaphore(%arg36 : memref<!tpu.dma_semaphore, #tpu.memory_space<semaphore_mem>>) src(%dma_wait3A_175 : memref<3200xf32, #tpu.memory_space<vmem>>) dst(%dma_wait3A_180 : memref<10000xf32, #tpu.memory_space<vmem_shared>>)
        %dma_wait3A_181 = arith.constant 0 : i32
        %dma_wait3A_182 = tpu.memref_slice %arg20[%sub3A_165, %dma_wait3A_181] : memref<2x3200xi32, #tpu.memory_space<vmem>> -> memref<1x3200xi32, #tpu.memory_space<vmem>>
        %dma_wait3A_183 = tpu.memref_squeeze %dma_wait3A_182 : memref<1x3200xi32, #tpu.memory_space<vmem>> -> memref<3200xi32, #tpu.memory_space<vmem>>
        %dma_wait3A_184 = arith.constant 0 : i32
        %dma_wait3A_185 = tpu.memref_slice %arg32[%dma_wait3A_184] : memref<10000xf32, #tpu.memory_space<vmem_shared>> -> memref<10000xf32, #tpu.memory_space<vmem_shared>>
        tpu.wait_indirect_dma semaphore(%arg36 : memref<!tpu.dma_semaphore, #tpu.memory_space<semaphore_mem>>) src(%arg29 : memref<3200xf32, #tpu.memory_space<vmem>>) dst(%dma_wait3A_185 : memref<10000xf32, #tpu.memory_space<vmem_shared>>)
        %dma_wait3A_186 = arith.constant 0 : i32
        %dma_wait3A_187 = tpu.memref_slice %arg28[%sub3A_165, %dma_wait3A_186] : memref<2x3200xf32, #tpu.memory_space<vmem>> -> memref<1x3200xf32, #tpu.memory_space<vmem>>
        %dma_wait3A_188 = tpu.memref_squeeze %dma_wait3A_187 : memref<1x3200xf32, #tpu.memory_space<vmem>> -> memref<3200xf32, #tpu.memory_space<vmem>>
        %dma_wait3A_189 = arith.constant 0 : i32
        %dma_wait3A_190 = tpu.memref_slice %arg21[%sub3A_165, %dma_wait3A_189] : memref<2x3200xi32, #tpu.memory_space<vmem>> -> memref<1x3200xi32, #tpu.memory_space<vmem>>
        %dma_wait3A_191 = tpu.memref_squeeze %dma_wait3A_190 : memref<1x3200xi32, #tpu.memory_space<vmem>> -> memref<3200xi32, #tpu.memory_space<vmem>>
        %dma_wait3A_192 = arith.constant 0 : i32
        %dma_wait3A_193 = tpu.memref_slice %arg33[%dma_wait3A_192] : memref<50000xf32, #tpu.memory_space<vmem_shared>> -> memref<50000xf32, #tpu.memory_space<vmem_shared>>
        tpu.wait_indirect_dma semaphore(%arg36 : memref<!tpu.dma_semaphore, #tpu.memory_space<semaphore_mem>>) src(%dma_wait3A_188 : memref<3200xf32, #tpu.memory_space<vmem>>) dst(%dma_wait3A_193 : memref<50000xf32, #tpu.memory_space<vmem_shared>>)
        %dma_wait3A_194 = arith.constant 0 : i32
        %dma_wait3A_195 = tpu.memref_slice %arg21[%sub3A_165, %dma_wait3A_194] : memref<2x3200xi32, #tpu.memory_space<vmem>> -> memref<1x3200xi32, #tpu.memory_space<vmem>>
        %dma_wait3A_196 = tpu.memref_squeeze %dma_wait3A_195 : memref<1x3200xi32, #tpu.memory_space<vmem>> -> memref<3200xi32, #tpu.memory_space<vmem>>
        %dma_wait3A_197 = arith.constant 0 : i32
        %dma_wait3A_198 = tpu.memref_slice %arg34[%dma_wait3A_197] : memref<50000xf32, #tpu.memory_space<vmem_shared>> -> memref<50000xf32, #tpu.memory_space<vmem_shared>>
        tpu.wait_indirect_dma semaphore(%arg36 : memref<!tpu.dma_semaphore, #tpu.memory_space<semaphore_mem>>) src(%arg29 : memref<3200xf32, #tpu.memory_space<vmem>>) dst(%dma_wait3A_198 : memref<50000xf32, #tpu.memory_space<vmem_shared>>)
      } else {
      }
      %lt3A_158 = arith.constant 250 : i32
      %lt3A_159 = arith.cmpi slt, %add3A_144, %lt3A_158 : i32
      %convert_element_type3A_160 = arith.extui %lt3A_159 : i1 to i32
      %cond3A_161 = arith.constant 0 : i32
      %cond3A_162 = arith.cmpi ne, %convert_element_type3A_160, %cond3A_161 : i32
      scf.if %cond3A_162 {
        %dma_start3A_164 = arith.constant 0 : i32
        %dma_start3A_165 = tpu.memref_slice %arg26[%rem3A_141, %dma_start3A_164] : memref<2x3200xf32, #tpu.memory_space<vmem>> -> memref<1x3200xf32, #tpu.memory_space<vmem>>
        %dma_start3A_166 = tpu.memref_squeeze %dma_start3A_165 : memref<1x3200xf32, #tpu.memory_space<vmem>> -> memref<3200xf32, #tpu.memory_space<vmem>>
        %dma_start3A_167 = arith.constant 0 : i32
        %dma_start3A_168 = tpu.memref_slice %arg20[%rem3A_141, %dma_start3A_167] : memref<2x3200xi32, #tpu.memory_space<vmem>> -> memref<1x3200xi32, #tpu.memory_space<vmem>>
        %dma_start3A_169 = tpu.memref_squeeze %dma_start3A_168 : memref<1x3200xi32, #tpu.memory_space<vmem>> -> memref<3200xi32, #tpu.memory_space<vmem>>
        %dma_start3A_170 = arith.constant 0 : i32
        %dma_start3A_171 = tpu.memref_slice %arg30[%dma_start3A_170] : memref<10000xf32, #tpu.memory_space<vmem_shared>> -> memref<10000xf32, #tpu.memory_space<vmem_shared>>
        tpu.enqueue_indirect_dma source(%dma_start3A_166 : memref<3200xf32, #tpu.memory_space<vmem>>) target(%dma_start3A_171 : memref<10000xf32, #tpu.memory_space<vmem_shared>>) offsets(%dma_start3A_169 : memref<3200xi32, #tpu.memory_space<vmem>>) semaphore(%arg36 : memref<!tpu.dma_semaphore, #tpu.memory_space<semaphore_mem>>) {add = true}
        %dma_start3A_172 = arith.constant 0 : i32
        %dma_start3A_173 = tpu.memref_slice %arg27[%rem3A_141, %dma_start3A_172] : memref<2x3200xf32, #tpu.memory_space<vmem>> -> memref<1x3200xf32, #tpu.memory_space<vmem>>
        %dma_start3A_174 = tpu.memref_squeeze %dma_start3A_173 : memref<1x3200xf32, #tpu.memory_space<vmem>> -> memref<3200xf32, #tpu.memory_space<vmem>>
        %dma_start3A_175 = arith.constant 0 : i32
        %dma_start3A_176 = tpu.memref_slice %arg20[%rem3A_141, %dma_start3A_175] : memref<2x3200xi32, #tpu.memory_space<vmem>> -> memref<1x3200xi32, #tpu.memory_space<vmem>>
        %dma_start3A_177 = tpu.memref_squeeze %dma_start3A_176 : memref<1x3200xi32, #tpu.memory_space<vmem>> -> memref<3200xi32, #tpu.memory_space<vmem>>
        %dma_start3A_178 = arith.constant 0 : i32
        %dma_start3A_179 = tpu.memref_slice %arg31[%dma_start3A_178] : memref<10000xf32, #tpu.memory_space<vmem_shared>> -> memref<10000xf32, #tpu.memory_space<vmem_shared>>
        tpu.enqueue_indirect_dma source(%dma_start3A_174 : memref<3200xf32, #tpu.memory_space<vmem>>) target(%dma_start3A_179 : memref<10000xf32, #tpu.memory_space<vmem_shared>>) offsets(%dma_start3A_177 : memref<3200xi32, #tpu.memory_space<vmem>>) semaphore(%arg36 : memref<!tpu.dma_semaphore, #tpu.memory_space<semaphore_mem>>) {add = true}
        %dma_start3A_180 = arith.constant 0 : i32
        %dma_start3A_181 = tpu.memref_slice %arg20[%rem3A_141, %dma_start3A_180] : memref<2x3200xi32, #tpu.memory_space<vmem>> -> memref<1x3200xi32, #tpu.memory_space<vmem>>
        %dma_start3A_182 = tpu.memref_squeeze %dma_start3A_181 : memref<1x3200xi32, #tpu.memory_space<vmem>> -> memref<3200xi32, #tpu.memory_space<vmem>>
        %dma_start3A_183 = arith.constant 0 : i32
        %dma_start3A_184 = tpu.memref_slice %arg32[%dma_start3A_183] : memref<10000xf32, #tpu.memory_space<vmem_shared>> -> memref<10000xf32, #tpu.memory_space<vmem_shared>>
        tpu.enqueue_indirect_dma source(%arg29 : memref<3200xf32, #tpu.memory_space<vmem>>) target(%dma_start3A_184 : memref<10000xf32, #tpu.memory_space<vmem_shared>>) offsets(%dma_start3A_182 : memref<3200xi32, #tpu.memory_space<vmem>>) semaphore(%arg36 : memref<!tpu.dma_semaphore, #tpu.memory_space<semaphore_mem>>) {add = true}
        %dma_start3A_185 = arith.constant 0 : i32
        %dma_start3A_186 = tpu.memref_slice %arg28[%rem3A_141, %dma_start3A_185] : memref<2x3200xf32, #tpu.memory_space<vmem>> -> memref<1x3200xf32, #tpu.memory_space<vmem>>
        %dma_start3A_187 = tpu.memref_squeeze %dma_start3A_186 : memref<1x3200xf32, #tpu.memory_space<vmem>> -> memref<3200xf32, #tpu.memory_space<vmem>>
        %dma_start3A_188 = arith.constant 0 : i32
        %dma_start3A_189 = tpu.memref_slice %arg21[%rem3A_141, %dma_start3A_188] : memref<2x3200xi32, #tpu.memory_space<vmem>> -> memref<1x3200xi32, #tpu.memory_space<vmem>>
        %dma_start3A_190 = tpu.memref_squeeze %dma_start3A_189 : memref<1x3200xi32, #tpu.memory_space<vmem>> -> memref<3200xi32, #tpu.memory_space<vmem>>
        %dma_start3A_191 = arith.constant 0 : i32
        %dma_start3A_192 = tpu.memref_slice %arg33[%dma_start3A_191] : memref<50000xf32, #tpu.memory_space<vmem_shared>> -> memref<50000xf32, #tpu.memory_space<vmem_shared>>
        tpu.enqueue_indirect_dma source(%dma_start3A_187 : memref<3200xf32, #tpu.memory_space<vmem>>) target(%dma_start3A_192 : memref<50000xf32, #tpu.memory_space<vmem_shared>>) offsets(%dma_start3A_190 : memref<3200xi32, #tpu.memory_space<vmem>>) semaphore(%arg36 : memref<!tpu.dma_semaphore, #tpu.memory_space<semaphore_mem>>) {add = true}
        %dma_start3A_193 = arith.constant 0 : i32
        %dma_start3A_194 = tpu.memref_slice %arg21[%rem3A_141, %dma_start3A_193] : memref<2x3200xi32, #tpu.memory_space<vmem>> -> memref<1x3200xi32, #tpu.memory_space<vmem>>
        %dma_start3A_195 = tpu.memref_squeeze %dma_start3A_194 : memref<1x3200xi32, #tpu.memory_space<vmem>> -> memref<3200xi32, #tpu.memory_space<vmem>>
        %dma_start3A_196 = arith.constant 0 : i32
        %dma_start3A_197 = tpu.memref_slice %arg34[%dma_start3A_196] : memref<50000xf32, #tpu.memory_space<vmem_shared>> -> memref<50000xf32, #tpu.memory_space<vmem_shared>>
        tpu.enqueue_indirect_dma source(%arg29 : memref<3200xf32, #tpu.memory_space<vmem>>) target(%dma_start3A_197 : memref<50000xf32, #tpu.memory_space<vmem_shared>>) offsets(%dma_start3A_195 : memref<3200xi32, #tpu.memory_space<vmem>>) semaphore(%arg36 : memref<!tpu.dma_semaphore, #tpu.memory_space<semaphore_mem>>) {add = true}
        %add3A_198 = arith.constant 32 : i32
        %add3A_199 = arith.addi %add3A_144, %add3A_198 : i32
        %lt3A_200 = arith.constant 250 : i32
        %lt3A_201 = arith.cmpi slt, %add3A_199, %lt3A_200 : i32
        %convert_element_type3A_202 = arith.extui %lt3A_201 : i1 to i32
        %cond3A_203 = arith.constant 0 : i32
        %cond3A_204 = arith.cmpi ne, %convert_element_type3A_202, %cond3A_203 : i32
        scf.if %cond3A_204 {
          %sub3A_205 = arith.constant 1 : i32
          %sub3A_206 = arith.subi %sub3A_205, %rem3A_141 : i32
          %add3A_207 = arith.constant 32 : i32
          %add3A_208 = arith.addi %add3A_144, %add3A_207 : i32
          %mul3A_209 = arith.constant 3200 : i32
          %mul3A_210 = arith.muli %add3A_208, %mul3A_209 : i32
          %dma_start3A_211 = arith.constant 0 : i32
          %dma_start3A_212 = tpu.memref_slice %arg19[%sub3A_206, %dma_start3A_211] : memref<2x3200xi32, #tpu.memory_space<vmem>> -> memref<1x3200xi32, #tpu.memory_space<vmem>>
          %dma_start3A_213 = tpu.memref_squeeze %dma_start3A_212 : memref<1x3200xi32, #tpu.memory_space<vmem>> -> memref<3200xi32, #tpu.memory_space<vmem>>
          %dma_start3A_214 = tpu.memref_slice %arg3[%mul3A_210] : memref<800000xi32, #tpu.memory_space<hbm>> -> memref<3200xi32, #tpu.memory_space<hbm>>
          %dma_start3A_215 = arith.constant 0 : i32
          %dma_start3A_216 = tpu.memref_slice %arg19[%sub3A_206, %dma_start3A_215] : memref<2x3200xi32, #tpu.memory_space<vmem>> -> memref<1x3200xi32, #tpu.memory_space<vmem>>
          %dma_start3A_217 = tpu.memref_squeeze %dma_start3A_216 : memref<1x3200xi32, #tpu.memory_space<vmem>> -> memref<3200xi32, #tpu.memory_space<vmem>>
          %dma_start3A_218 = tpu.memref_slice %arg3[%mul3A_210] : memref<800000xi32, #tpu.memory_space<hbm>> -> memref<3200xi32, #tpu.memory_space<hbm>>
          tpu.enqueue_dma source(%dma_start3A_218 : memref<3200xi32, #tpu.memory_space<hbm>>) target(%dma_start3A_217 : memref<3200xi32, #tpu.memory_space<vmem>>) target_semaphore(%arg35 : memref<!tpu.dma_semaphore, #tpu.memory_space<semaphore_mem>>)
          %mul3A_219 = arith.constant 3200 : i32
          %mul3A_220 = arith.muli %add3A_208, %mul3A_219 : i32
          %dma_start3A_221 = arith.constant 0 : i32
          %dma_start3A_222 = tpu.memref_slice %arg20[%sub3A_206, %dma_start3A_221] : memref<2x3200xi32, #tpu.memory_space<vmem>> -> memref<1x3200xi32, #tpu.memory_space<vmem>>
          %dma_start3A_223 = tpu.memref_squeeze %dma_start3A_222 : memref<1x3200xi32, #tpu.memory_space<vmem>> -> memref<3200xi32, #tpu.memory_space<vmem>>
          %dma_start3A_224 = tpu.memref_slice %arg4[%mul3A_220] : memref<800000xi32, #tpu.memory_space<hbm>> -> memref<3200xi32, #tpu.memory_space<hbm>>
          %dma_start3A_225 = arith.constant 0 : i32
          %dma_start3A_226 = tpu.memref_slice %arg20[%sub3A_206, %dma_start3A_225] : memref<2x3200xi32, #tpu.memory_space<vmem>> -> memref<1x3200xi32, #tpu.memory_space<vmem>>
          %dma_start3A_227 = tpu.memref_squeeze %dma_start3A_226 : memref<1x3200xi32, #tpu.memory_space<vmem>> -> memref<3200xi32, #tpu.memory_space<vmem>>
          %dma_start3A_228 = tpu.memref_slice %arg4[%mul3A_220] : memref<800000xi32, #tpu.memory_space<hbm>> -> memref<3200xi32, #tpu.memory_space<hbm>>
          tpu.enqueue_dma source(%dma_start3A_228 : memref<3200xi32, #tpu.memory_space<hbm>>) target(%dma_start3A_227 : memref<3200xi32, #tpu.memory_space<vmem>>) target_semaphore(%arg35 : memref<!tpu.dma_semaphore, #tpu.memory_space<semaphore_mem>>)
          %mul3A_229 = arith.constant 3200 : i32
          %mul3A_230 = arith.muli %add3A_208, %mul3A_229 : i32
          %dma_start3A_231 = arith.constant 0 : i32
          %dma_start3A_232 = tpu.memref_slice %arg21[%sub3A_206, %dma_start3A_231] : memref<2x3200xi32, #tpu.memory_space<vmem>> -> memref<1x3200xi32, #tpu.memory_space<vmem>>
          %dma_start3A_233 = tpu.memref_squeeze %dma_start3A_232 : memref<1x3200xi32, #tpu.memory_space<vmem>> -> memref<3200xi32, #tpu.memory_space<vmem>>
          %dma_start3A_234 = tpu.memref_slice %arg5[%mul3A_230] : memref<800000xi32, #tpu.memory_space<hbm>> -> memref<3200xi32, #tpu.memory_space<hbm>>
          %dma_start3A_235 = arith.constant 0 : i32
          %dma_start3A_236 = tpu.memref_slice %arg21[%sub3A_206, %dma_start3A_235] : memref<2x3200xi32, #tpu.memory_space<vmem>> -> memref<1x3200xi32, #tpu.memory_space<vmem>>
          %dma_start3A_237 = tpu.memref_squeeze %dma_start3A_236 : memref<1x3200xi32, #tpu.memory_space<vmem>> -> memref<3200xi32, #tpu.memory_space<vmem>>
          %dma_start3A_238 = tpu.memref_slice %arg5[%mul3A_230] : memref<800000xi32, #tpu.memory_space<hbm>> -> memref<3200xi32, #tpu.memory_space<hbm>>
          tpu.enqueue_dma source(%dma_start3A_238 : memref<3200xi32, #tpu.memory_space<hbm>>) target(%dma_start3A_237 : memref<3200xi32, #tpu.memory_space<vmem>>) target_semaphore(%arg35 : memref<!tpu.dma_semaphore, #tpu.memory_space<semaphore_mem>>)
          %mul3A_239 = arith.constant 3200 : i32
          %mul3A_240 = arith.muli %add3A_208, %mul3A_239 : i32
          %dma_start3A_241 = arith.constant 0 : i32
          %dma_start3A_242 = tpu.memref_slice %arg22[%sub3A_206, %dma_start3A_241] : memref<2x3200xf32, #tpu.memory_space<vmem>> -> memref<1x3200xf32, #tpu.memory_space<vmem>>
          %dma_start3A_243 = tpu.memref_squeeze %dma_start3A_242 : memref<1x3200xf32, #tpu.memory_space<vmem>> -> memref<3200xf32, #tpu.memory_space<vmem>>
          %dma_start3A_244 = tpu.memref_slice %arg6[%mul3A_240] : memref<800000xf32, #tpu.memory_space<hbm>> -> memref<3200xf32, #tpu.memory_space<hbm>>
          %dma_start3A_245 = arith.constant 0 : i32
          %dma_start3A_246 = tpu.memref_slice %arg22[%sub3A_206, %dma_start3A_245] : memref<2x3200xf32, #tpu.memory_space<vmem>> -> memref<1x3200xf32, #tpu.memory_space<vmem>>
          %dma_start3A_247 = tpu.memref_squeeze %dma_start3A_246 : memref<1x3200xf32, #tpu.memory_space<vmem>> -> memref<3200xf32, #tpu.memory_space<vmem>>
          %dma_start3A_248 = tpu.memref_slice %arg6[%mul3A_240] : memref<800000xf32, #tpu.memory_space<hbm>> -> memref<3200xf32, #tpu.memory_space<hbm>>
          tpu.enqueue_dma source(%dma_start3A_248 : memref<3200xf32, #tpu.memory_space<hbm>>) target(%dma_start3A_247 : memref<3200xf32, #tpu.memory_space<vmem>>) target_semaphore(%arg35 : memref<!tpu.dma_semaphore, #tpu.memory_space<semaphore_mem>>)
          %mul3A_249 = arith.constant 3200 : i32
          %mul3A_250 = arith.muli %add3A_208, %mul3A_249 : i32
          %dma_start3A_251 = arith.constant 0 : i32
          %dma_start3A_252 = tpu.memref_slice %arg23[%sub3A_206, %dma_start3A_251] : memref<2x3200xf32, #tpu.memory_space<vmem>> -> memref<1x3200xf32, #tpu.memory_space<vmem>>
          %dma_start3A_253 = tpu.memref_squeeze %dma_start3A_252 : memref<1x3200xf32, #tpu.memory_space<vmem>> -> memref<3200xf32, #tpu.memory_space<vmem>>
          %dma_start3A_254 = tpu.memref_slice %arg7[%mul3A_250] : memref<800000xf32, #tpu.memory_space<hbm>> -> memref<3200xf32, #tpu.memory_space<hbm>>
          %dma_start3A_255 = arith.constant 0 : i32
          %dma_start3A_256 = tpu.memref_slice %arg23[%sub3A_206, %dma_start3A_255] : memref<2x3200xf32, #tpu.memory_space<vmem>> -> memref<1x3200xf32, #tpu.memory_space<vmem>>
          %dma_start3A_257 = tpu.memref_squeeze %dma_start3A_256 : memref<1x3200xf32, #tpu.memory_space<vmem>> -> memref<3200xf32, #tpu.memory_space<vmem>>
          %dma_start3A_258 = tpu.memref_slice %arg7[%mul3A_250] : memref<800000xf32, #tpu.memory_space<hbm>> -> memref<3200xf32, #tpu.memory_space<hbm>>
          tpu.enqueue_dma source(%dma_start3A_258 : memref<3200xf32, #tpu.memory_space<hbm>>) target(%dma_start3A_257 : memref<3200xf32, #tpu.memory_space<vmem>>) target_semaphore(%arg35 : memref<!tpu.dma_semaphore, #tpu.memory_space<semaphore_mem>>)
          %mul3A_259 = arith.constant 3200 : i32
          %mul3A_260 = arith.muli %add3A_208, %mul3A_259 : i32
          %dma_start3A_261 = arith.constant 0 : i32
          %dma_start3A_262 = tpu.memref_slice %arg24[%sub3A_206, %dma_start3A_261] : memref<2x3200xf32, #tpu.memory_space<vmem>> -> memref<1x3200xf32, #tpu.memory_space<vmem>>
          %dma_start3A_263 = tpu.memref_squeeze %dma_start3A_262 : memref<1x3200xf32, #tpu.memory_space<vmem>> -> memref<3200xf32, #tpu.memory_space<vmem>>
          %dma_start3A_264 = tpu.memref_slice %arg8[%mul3A_260] : memref<800000xf32, #tpu.memory_space<hbm>> -> memref<3200xf32, #tpu.memory_space<hbm>>
          %dma_start3A_265 = arith.constant 0 : i32
          %dma_start3A_266 = tpu.memref_slice %arg24[%sub3A_206, %dma_start3A_265] : memref<2x3200xf32, #tpu.memory_space<vmem>> -> memref<1x3200xf32, #tpu.memory_space<vmem>>
          %dma_start3A_267 = tpu.memref_squeeze %dma_start3A_266 : memref<1x3200xf32, #tpu.memory_space<vmem>> -> memref<3200xf32, #tpu.memory_space<vmem>>
          %dma_start3A_268 = tpu.memref_slice %arg8[%mul3A_260] : memref<800000xf32, #tpu.memory_space<hbm>> -> memref<3200xf32, #tpu.memory_space<hbm>>
          tpu.enqueue_dma source(%dma_start3A_268 : memref<3200xf32, #tpu.memory_space<hbm>>) target(%dma_start3A_267 : memref<3200xf32, #tpu.memory_space<vmem>>) target_semaphore(%arg35 : memref<!tpu.dma_semaphore, #tpu.memory_space<semaphore_mem>>)
          %mul3A_269 = arith.constant 3200 : i32
          %mul3A_270 = arith.muli %add3A_208, %mul3A_269 : i32
          %dma_start3A_271 = arith.constant 0 : i32
          %dma_start3A_272 = tpu.memref_slice %arg25[%sub3A_206, %dma_start3A_271] : memref<2x3200xf32, #tpu.memory_space<vmem>> -> memref<1x3200xf32, #tpu.memory_space<vmem>>
          %dma_start3A_273 = tpu.memref_squeeze %dma_start3A_272 : memref<1x3200xf32, #tpu.memory_space<vmem>> -> memref<3200xf32, #tpu.memory_space<vmem>>
          %dma_start3A_274 = tpu.memref_slice %arg9[%mul3A_270] : memref<800000xf32, #tpu.memory_space<hbm>> -> memref<3200xf32, #tpu.memory_space<hbm>>
          %dma_start3A_275 = arith.constant 0 : i32
          %dma_start3A_276 = tpu.memref_slice %arg25[%sub3A_206, %dma_start3A_275] : memref<2x3200xf32, #tpu.memory_space<vmem>> -> memref<1x3200xf32, #tpu.memory_space<vmem>>
          %dma_start3A_277 = tpu.memref_squeeze %dma_start3A_276 : memref<1x3200xf32, #tpu.memory_space<vmem>> -> memref<3200xf32, #tpu.memory_space<vmem>>
          %dma_start3A_278 = tpu.memref_slice %arg9[%mul3A_270] : memref<800000xf32, #tpu.memory_space<hbm>> -> memref<3200xf32, #tpu.memory_space<hbm>>
          tpu.enqueue_dma source(%dma_start3A_278 : memref<3200xf32, #tpu.memory_space<hbm>>) target(%dma_start3A_277 : memref<3200xf32, #tpu.memory_space<vmem>>) target_semaphore(%arg35 : memref<!tpu.dma_semaphore, #tpu.memory_space<semaphore_mem>>)
        } else {
        }
      } else {
      }
      %scan3A_163 = arith.constant 0 : i32
      scf.yield %scan3A_163 : i32
    }
    %scan3A_111 = arith.constant 8 : i32
    %lt3A_112 = arith.constant 26 : i32
    %lt3A_113 = arith.cmpi slt, %add3A, %lt3A_112 : i32
    %convert_element_type3A_114 = arith.extui %lt3A_113 : i1 to i32
    %cond3A_115 = arith.constant 0 : i32
    %cond3A_116 = arith.cmpi ne, %convert_element_type3A_114, %cond3A_115 : i32
    scf.if %cond3A_116 {
      %dma_wait3A = arith.constant 1 : i32
      %dma_wait3A_139 = arith.constant 1 : i32
      %dma_wait3A_140 = arith.constant 0 : i32
      %dma_wait3A_141 = tpu.memref_slice %arg26[%dma_wait3A, %dma_wait3A_140] : memref<2x3200xf32, #tpu.memory_space<vmem>> -> memref<1x3200xf32, #tpu.memory_space<vmem>>
      %dma_wait3A_142 = tpu.memref_squeeze %dma_wait3A_141 : memref<1x3200xf32, #tpu.memory_space<vmem>> -> memref<3200xf32, #tpu.memory_space<vmem>>
      %dma_wait3A_143 = arith.constant 0 : i32
      %dma_wait3A_144 = tpu.memref_slice %arg20[%dma_wait3A_139, %dma_wait3A_143] : memref<2x3200xi32, #tpu.memory_space<vmem>> -> memref<1x3200xi32, #tpu.memory_space<vmem>>
      %dma_wait3A_145 = tpu.memref_squeeze %dma_wait3A_144 : memref<1x3200xi32, #tpu.memory_space<vmem>> -> memref<3200xi32, #tpu.memory_space<vmem>>
      %dma_wait3A_146 = arith.constant 0 : i32
      %dma_wait3A_147 = tpu.memref_slice %arg30[%dma_wait3A_146] : memref<10000xf32, #tpu.memory_space<vmem_shared>> -> memref<10000xf32, #tpu.memory_space<vmem_shared>>
      tpu.wait_indirect_dma semaphore(%arg36 : memref<!tpu.dma_semaphore, #tpu.memory_space<semaphore_mem>>) src(%dma_wait3A_142 : memref<3200xf32, #tpu.memory_space<vmem>>) dst(%dma_wait3A_147 : memref<10000xf32, #tpu.memory_space<vmem_shared>>)
      %dma_wait3A_148 = arith.constant 1 : i32
      %dma_wait3A_149 = arith.constant 1 : i32
      %dma_wait3A_150 = arith.constant 0 : i32
      %dma_wait3A_151 = tpu.memref_slice %arg27[%dma_wait3A_148, %dma_wait3A_150] : memref<2x3200xf32, #tpu.memory_space<vmem>> -> memref<1x3200xf32, #tpu.memory_space<vmem>>
      %dma_wait3A_152 = tpu.memref_squeeze %dma_wait3A_151 : memref<1x3200xf32, #tpu.memory_space<vmem>> -> memref<3200xf32, #tpu.memory_space<vmem>>
      %dma_wait3A_153 = arith.constant 0 : i32
      %dma_wait3A_154 = tpu.memref_slice %arg20[%dma_wait3A_149, %dma_wait3A_153] : memref<2x3200xi32, #tpu.memory_space<vmem>> -> memref<1x3200xi32, #tpu.memory_space<vmem>>
      %dma_wait3A_155 = tpu.memref_squeeze %dma_wait3A_154 : memref<1x3200xi32, #tpu.memory_space<vmem>> -> memref<3200xi32, #tpu.memory_space<vmem>>
      %dma_wait3A_156 = arith.constant 0 : i32
      %dma_wait3A_157 = tpu.memref_slice %arg31[%dma_wait3A_156] : memref<10000xf32, #tpu.memory_space<vmem_shared>> -> memref<10000xf32, #tpu.memory_space<vmem_shared>>
      tpu.wait_indirect_dma semaphore(%arg36 : memref<!tpu.dma_semaphore, #tpu.memory_space<semaphore_mem>>) src(%dma_wait3A_152 : memref<3200xf32, #tpu.memory_space<vmem>>) dst(%dma_wait3A_157 : memref<10000xf32, #tpu.memory_space<vmem_shared>>)
      %dma_wait3A_158 = arith.constant 1 : i32
      %dma_wait3A_159 = arith.constant 0 : i32
      %dma_wait3A_160 = tpu.memref_slice %arg20[%dma_wait3A_158, %dma_wait3A_159] : memref<2x3200xi32, #tpu.memory_space<vmem>> -> memref<1x3200xi32, #tpu.memory_space<vmem>>
      %dma_wait3A_161 = tpu.memref_squeeze %dma_wait3A_160 : memref<1x3200xi32, #tpu.memory_space<vmem>> -> memref<3200xi32, #tpu.memory_space<vmem>>
      %dma_wait3A_162 = arith.constant 0 : i32
      %dma_wait3A_163 = tpu.memref_slice %arg32[%dma_wait3A_162] : memref<10000xf32, #tpu.memory_space<vmem_shared>> -> memref<10000xf32, #tpu.memory_space<vmem_shared>>
      tpu.wait_indirect_dma semaphore(%arg36 : memref<!tpu.dma_semaphore, #tpu.memory_space<semaphore_mem>>) src(%arg29 : memref<3200xf32, #tpu.memory_space<vmem>>) dst(%dma_wait3A_163 : memref<10000xf32, #tpu.memory_space<vmem_shared>>)
      %dma_wait3A_164 = arith.constant 1 : i32
      %dma_wait3A_165 = arith.constant 1 : i32
      %dma_wait3A_166 = arith.constant 0 : i32
      %dma_wait3A_167 = tpu.memref_slice %arg28[%dma_wait3A_164, %dma_wait3A_166] : memref<2x3200xf32, #tpu.memory_space<vmem>> -> memref<1x3200xf32, #tpu.memory_space<vmem>>
      %dma_wait3A_168 = tpu.memref_squeeze %dma_wait3A_167 : memref<1x3200xf32, #tpu.memory_space<vmem>> -> memref<3200xf32, #tpu.memory_space<vmem>>
      %dma_wait3A_169 = arith.constant 0 : i32
      %dma_wait3A_170 = tpu.memref_slice %arg21[%dma_wait3A_165, %dma_wait3A_169] : memref<2x3200xi32, #tpu.memory_space<vmem>> -> memref<1x3200xi32, #tpu.memory_space<vmem>>
      %dma_wait3A_171 = tpu.memref_squeeze %dma_wait3A_170 : memref<1x3200xi32, #tpu.memory_space<vmem>> -> memref<3200xi32, #tpu.memory_space<vmem>>
      %dma_wait3A_172 = arith.constant 0 : i32
      %dma_wait3A_173 = tpu.memref_slice %arg33[%dma_wait3A_172] : memref<50000xf32, #tpu.memory_space<vmem_shared>> -> memref<50000xf32, #tpu.memory_space<vmem_shared>>
      tpu.wait_indirect_dma semaphore(%arg36 : memref<!tpu.dma_semaphore, #tpu.memory_space<semaphore_mem>>) src(%dma_wait3A_168 : memref<3200xf32, #tpu.memory_space<vmem>>) dst(%dma_wait3A_173 : memref<50000xf32, #tpu.memory_space<vmem_shared>>)
      %dma_wait3A_174 = arith.constant 1 : i32
      %dma_wait3A_175 = arith.constant 0 : i32
      %dma_wait3A_176 = tpu.memref_slice %arg21[%dma_wait3A_174, %dma_wait3A_175] : memref<2x3200xi32, #tpu.memory_space<vmem>> -> memref<1x3200xi32, #tpu.memory_space<vmem>>
      %dma_wait3A_177 = tpu.memref_squeeze %dma_wait3A_176 : memref<1x3200xi32, #tpu.memory_space<vmem>> -> memref<3200xi32, #tpu.memory_space<vmem>>
      %dma_wait3A_178 = arith.constant 0 : i32
      %dma_wait3A_179 = tpu.memref_slice %arg34[%dma_wait3A_178] : memref<50000xf32, #tpu.memory_space<vmem_shared>> -> memref<50000xf32, #tpu.memory_space<vmem_shared>>
      tpu.wait_indirect_dma semaphore(%arg36 : memref<!tpu.dma_semaphore, #tpu.memory_space<semaphore_mem>>) src(%arg29 : memref<3200xf32, #tpu.memory_space<vmem>>) dst(%dma_wait3A_179 : memref<50000xf32, #tpu.memory_space<vmem_shared>>)
    } else {
    }
    %barrier3A_117 = arith.constant 0 : index
    tpu.barrier barrier_id(%barrier3A_117)
    %lt3A_118 = arith.constant 5 : i32
    %lt3A_119 = arith.cmpi slt, %arg1, %lt3A_118 : i32
    %convert_element_type3A_120 = arith.extui %lt3A_119 : i1 to i32
    %cond3A_121 = arith.constant 0 : i32
    %cond3A_122 = arith.cmpi ne, %convert_element_type3A_120, %cond3A_121 : i32
    scf.if %cond3A_122 {
      %mul3A_139 = arith.constant 2000 : i32
      %mul3A_140 = arith.muli %arg1, %mul3A_139 : i32
      "tpu.region"() ({
        %run_scoped3A = tpu.sem_alloc : memref<!tpu.dma_semaphore, #tpu.memory_space<semaphore_mem>>
        %dma_start3A_141 = tpu.memref_slice %arg13[%arg0, %mul3A_140] : memref<2x10000xf32, #tpu.memory_space<hbm>> -> memref<1x2000xf32, #tpu.memory_space<hbm>>
        %dma_start3A_142 = tpu.memref_squeeze %dma_start3A_141 : memref<1x2000xf32, #tpu.memory_space<hbm>> -> memref<2000xf32, #tpu.memory_space<hbm>>
        %dma_start3A_143 = tpu.memref_slice %arg30[%mul3A_140] : memref<10000xf32, #tpu.memory_space<vmem_shared>> -> memref<2000xf32, #tpu.memory_space<vmem_shared>>
        tpu.enqueue_dma source(%dma_start3A_143 : memref<2000xf32, #tpu.memory_space<vmem_shared>>) target(%dma_start3A_142 : memref<2000xf32, #tpu.memory_space<hbm>>) target_semaphore(%run_scoped3A : memref<!tpu.dma_semaphore, #tpu.memory_space<semaphore_mem>>)
        %dma_wait3A = tpu.memref_slice %arg13[%arg0, %mul3A_140] : memref<2x10000xf32, #tpu.memory_space<hbm>> -> memref<1x2000xf32, #tpu.memory_space<hbm>>
        %dma_wait3A_144 = tpu.memref_squeeze %dma_wait3A : memref<1x2000xf32, #tpu.memory_space<hbm>> -> memref<2000xf32, #tpu.memory_space<hbm>>
        %dma_wait3A_145 = tpu.memref_slice %arg30[%mul3A_140] : memref<10000xf32, #tpu.memory_space<vmem_shared>> -> memref<2000xf32, #tpu.memory_space<vmem_shared>>
        tpu.wait_dma2 semaphore(%run_scoped3A : memref<!tpu.dma_semaphore, #tpu.memory_space<semaphore_mem>>) src(%dma_wait3A_145 : memref<2000xf32, #tpu.memory_space<vmem_shared>>) dst(%dma_wait3A_144 : memref<2000xf32, #tpu.memory_space<hbm>>)
        tpu.yield
      }) : () -> ()
      "tpu.region"() ({
        %run_scoped3A = tpu.sem_alloc : memref<!tpu.dma_semaphore, #tpu.memory_space<semaphore_mem>>
        %dma_start3A_141 = tpu.memref_slice %arg14[%arg0, %mul3A_140] : memref<2x10000xf32, #tpu.memory_space<hbm>> -> memref<1x2000xf32, #tpu.memory_space<hbm>>
        %dma_start3A_142 = tpu.memref_squeeze %dma_start3A_141 : memref<1x2000xf32, #tpu.memory_space<hbm>> -> memref<2000xf32, #tpu.memory_space<hbm>>
        %dma_start3A_143 = tpu.memref_slice %arg31[%mul3A_140] : memref<10000xf32, #tpu.memory_space<vmem_shared>> -> memref<2000xf32, #tpu.memory_space<vmem_shared>>
        tpu.enqueue_dma source(%dma_start3A_143 : memref<2000xf32, #tpu.memory_space<vmem_shared>>) target(%dma_start3A_142 : memref<2000xf32, #tpu.memory_space<hbm>>) target_semaphore(%run_scoped3A : memref<!tpu.dma_semaphore, #tpu.memory_space<semaphore_mem>>)
        %dma_wait3A = tpu.memref_slice %arg14[%arg0, %mul3A_140] : memref<2x10000xf32, #tpu.memory_space<hbm>> -> memref<1x2000xf32, #tpu.memory_space<hbm>>
        %dma_wait3A_144 = tpu.memref_squeeze %dma_wait3A : memref<1x2000xf32, #tpu.memory_space<hbm>> -> memref<2000xf32, #tpu.memory_space<hbm>>
        %dma_wait3A_145 = tpu.memref_slice %arg31[%mul3A_140] : memref<10000xf32, #tpu.memory_space<vmem_shared>> -> memref<2000xf32, #tpu.memory_space<vmem_shared>>
        tpu.wait_dma2 semaphore(%run_scoped3A : memref<!tpu.dma_semaphore, #tpu.memory_space<semaphore_mem>>) src(%dma_wait3A_145 : memref<2000xf32, #tpu.memory_space<vmem_shared>>) dst(%dma_wait3A_144 : memref<2000xf32, #tpu.memory_space<hbm>>)
        tpu.yield
      }) : () -> ()
      "tpu.region"() ({
        %run_scoped3A = tpu.sem_alloc : memref<!tpu.dma_semaphore, #tpu.memory_space<semaphore_mem>>
        %dma_start3A_141 = tpu.memref_slice %arg15[%arg0, %mul3A_140] : memref<2x10000xf32, #tpu.memory_space<hbm>> -> memref<1x2000xf32, #tpu.memory_space<hbm>>
        %dma_start3A_142 = tpu.memref_squeeze %dma_start3A_141 : memref<1x2000xf32, #tpu.memory_space<hbm>> -> memref<2000xf32, #tpu.memory_space<hbm>>
        %dma_start3A_143 = tpu.memref_slice %arg32[%mul3A_140] : memref<10000xf32, #tpu.memory_space<vmem_shared>> -> memref<2000xf32, #tpu.memory_space<vmem_shared>>
        tpu.enqueue_dma source(%dma_start3A_143 : memref<2000xf32, #tpu.memory_space<vmem_shared>>) target(%dma_start3A_142 : memref<2000xf32, #tpu.memory_space<hbm>>) target_semaphore(%run_scoped3A : memref<!tpu.dma_semaphore, #tpu.memory_space<semaphore_mem>>)
        %dma_wait3A = tpu.memref_slice %arg15[%arg0, %mul3A_140] : memref<2x10000xf32, #tpu.memory_space<hbm>> -> memref<1x2000xf32, #tpu.memory_space<hbm>>
        %dma_wait3A_144 = tpu.memref_squeeze %dma_wait3A : memref<1x2000xf32, #tpu.memory_space<hbm>> -> memref<2000xf32, #tpu.memory_space<hbm>>
        %dma_wait3A_145 = tpu.memref_slice %arg32[%mul3A_140] : memref<10000xf32, #tpu.memory_space<vmem_shared>> -> memref<2000xf32, #tpu.memory_space<vmem_shared>>
        tpu.wait_dma2 semaphore(%run_scoped3A : memref<!tpu.dma_semaphore, #tpu.memory_space<semaphore_mem>>) src(%dma_wait3A_145 : memref<2000xf32, #tpu.memory_space<vmem_shared>>) dst(%dma_wait3A_144 : memref<2000xf32, #tpu.memory_space<hbm>>)
        tpu.yield
      }) : () -> ()
    } else {
    }
    %ge3A_123 = arith.constant 5 : i32
    %ge3A_124 = arith.cmpi sge, %arg1, %ge3A_123 : i32
    %lt3A_125 = arith.constant 7 : i32
    %lt3A_126 = arith.cmpi slt, %arg1, %lt3A_125 : i32
    %and3A_127 = arith.andi %ge3A_124, %lt3A_126 : i1
    %convert_element_type3A_128 = arith.extui %and3A_127 : i1 to i32
    %cond3A_129 = arith.constant 0 : i32
    %cond3A_130 = arith.cmpi ne, %convert_element_type3A_128, %cond3A_129 : i32
    scf.if %cond3A_130 {
      %sub3A = arith.constant 5 : i32
      %sub3A_139 = arith.subi %arg1, %sub3A : i32
      %mul3A_140 = arith.constant 25000 : i32
      %mul3A_141 = arith.muli %sub3A_139, %mul3A_140 : i32
      "tpu.region"() ({
        %run_scoped3A = tpu.sem_alloc : memref<!tpu.dma_semaphore, #tpu.memory_space<semaphore_mem>>
        %dma_start3A_142 = tpu.memref_slice %arg16[%arg0, %mul3A_141] : memref<2x50000xf32, #tpu.memory_space<hbm>> -> memref<1x25000xf32, #tpu.memory_space<hbm>>
        %dma_start3A_143 = tpu.memref_squeeze %dma_start3A_142 : memref<1x25000xf32, #tpu.memory_space<hbm>> -> memref<25000xf32, #tpu.memory_space<hbm>>
        %dma_start3A_144 = tpu.memref_slice %arg33[%mul3A_141] : memref<50000xf32, #tpu.memory_space<vmem_shared>> -> memref<25000xf32, #tpu.memory_space<vmem_shared>>
        tpu.enqueue_dma source(%dma_start3A_144 : memref<25000xf32, #tpu.memory_space<vmem_shared>>) target(%dma_start3A_143 : memref<25000xf32, #tpu.memory_space<hbm>>) target_semaphore(%run_scoped3A : memref<!tpu.dma_semaphore, #tpu.memory_space<semaphore_mem>>)
        %dma_wait3A = tpu.memref_slice %arg16[%arg0, %mul3A_141] : memref<2x50000xf32, #tpu.memory_space<hbm>> -> memref<1x25000xf32, #tpu.memory_space<hbm>>
        %dma_wait3A_145 = tpu.memref_squeeze %dma_wait3A : memref<1x25000xf32, #tpu.memory_space<hbm>> -> memref<25000xf32, #tpu.memory_space<hbm>>
        %dma_wait3A_146 = tpu.memref_slice %arg33[%mul3A_141] : memref<50000xf32, #tpu.memory_space<vmem_shared>> -> memref<25000xf32, #tpu.memory_space<vmem_shared>>
        tpu.wait_dma2 semaphore(%run_scoped3A : memref<!tpu.dma_semaphore, #tpu.memory_space<semaphore_mem>>) src(%dma_wait3A_146 : memref<25000xf32, #tpu.memory_space<vmem_shared>>) dst(%dma_wait3A_145 : memref<25000xf32, #tpu.memory_space<hbm>>)
        tpu.yield
      }) : () -> ()
    } else {
    }
    %ge3A_131 = arith.constant 7 : i32
    %ge3A_132 = arith.cmpi sge, %arg1, %ge3A_131 : i32
    %lt3A_133 = arith.constant 9 : i32
    %lt3A_134 = arith.cmpi slt, %arg1, %lt3A_133 : i32
    %and3A_135 = arith.andi %ge3A_132, %lt3A_134 : i1
    %convert_element_type3A_136 = arith.extui %and3A_135 : i1 to i32
    %cond3A_137 = arith.constant 0 : i32
    %cond3A_138 = arith.cmpi ne, %convert_element_type3A_136, %cond3A_137 : i32
    scf.if %cond3A_138 {
      %sub3A = arith.constant 7 : i32
      %sub3A_139 = arith.subi %arg1, %sub3A : i32
      %mul3A_140 = arith.constant 25000 : i32
      %mul3A_141 = arith.muli %sub3A_139, %mul3A_140 : i32
      "tpu.region"() ({
        %run_scoped3A = tpu.sem_alloc : memref<!tpu.dma_semaphore, #tpu.memory_space<semaphore_mem>>
        %dma_start3A_142 = tpu.memref_slice %arg17[%arg0, %mul3A_141] : memref<2x50000xf32, #tpu.memory_space<hbm>> -> memref<1x25000xf32, #tpu.memory_space<hbm>>
        %dma_start3A_143 = tpu.memref_squeeze %dma_start3A_142 : memref<1x25000xf32, #tpu.memory_space<hbm>> -> memref<25000xf32, #tpu.memory_space<hbm>>
        %dma_start3A_144 = tpu.memref_slice %arg34[%mul3A_141] : memref<50000xf32, #tpu.memory_space<vmem_shared>> -> memref<25000xf32, #tpu.memory_space<vmem_shared>>
        tpu.enqueue_dma source(%dma_start3A_144 : memref<25000xf32, #tpu.memory_space<vmem_shared>>) target(%dma_start3A_143 : memref<25000xf32, #tpu.memory_space<hbm>>) target_semaphore(%run_scoped3A : memref<!tpu.dma_semaphore, #tpu.memory_space<semaphore_mem>>)
        %dma_wait3A = tpu.memref_slice %arg17[%arg0, %mul3A_141] : memref<2x50000xf32, #tpu.memory_space<hbm>> -> memref<1x25000xf32, #tpu.memory_space<hbm>>
        %dma_wait3A_145 = tpu.memref_squeeze %dma_wait3A : memref<1x25000xf32, #tpu.memory_space<hbm>> -> memref<25000xf32, #tpu.memory_space<hbm>>
        %dma_wait3A_146 = tpu.memref_slice %arg34[%mul3A_141] : memref<50000xf32, #tpu.memory_space<vmem_shared>> -> memref<25000xf32, #tpu.memory_space<vmem_shared>>
        tpu.wait_dma2 semaphore(%run_scoped3A : memref<!tpu.dma_semaphore, #tpu.memory_space<semaphore_mem>>) src(%dma_wait3A_146 : memref<25000xf32, #tpu.memory_space<vmem_shared>>) dst(%dma_wait3A_145 : memref<25000xf32, #tpu.memory_space<hbm>>)
        tpu.yield
      }) : () -> ()
    } else {
    }
    return
  }
}

module attributes {stable_mosaic.version = 14 : i64} {
  func.func @_ap_dense_kernel(%arg0: memref<2x10000xf32, #tpu.memory_space<vmem>>, %arg1: memref<2x10000xf32, #tpu.memory_space<vmem>>, %arg2: memref<2x10000xf32, #tpu.memory_space<vmem>>, %arg3: memref<1x10000xf32, #tpu.memory_space<vmem>>, %arg4: memref<2x32xf32, #tpu.memory_space<vmem>>, %arg5: memref<2x32xf32, #tpu.memory_space<vmem>>, %arg6: memref<2x32xf32, #tpu.memory_space<vmem>>, %arg7: memref<2x16x32xf32, #tpu.memory_space<vmem>>, %arg8: memref<2x16xf32, #tpu.memory_space<vmem>>, %arg9: memref<2x1x16xf32, #tpu.memory_space<vmem>>, %arg10: memref<2x1xf32, #tpu.memory_space<vmem>>, %arg11: memref<1x10000xf32, #tpu.memory_space<vmem>>) attributes {dimension_semantics = [], scalar_prefetch = 0 : i64, scratch_operands = 0 : i64, tpu.core_type = #tpu.core_type<tc>} {
    %get3A = arith.constant 0 : index
    %get3A_0 = arith.constant 0 : index
    %get3A_1 = vector.load %arg0[%get3A, %get3A_0] : memref<2x10000xf32, #tpu.memory_space<vmem>>, vector<1x10000xf32>
    %get3A_2 = vector.shape_cast %get3A_1 : vector<1x10000xf32> to vector<10000xf32>
    %get3A_3 = arith.constant 1 : index
    %get3A_4 = arith.constant 0 : index
    %get3A_5 = vector.load %arg0[%get3A_3, %get3A_4] : memref<2x10000xf32, #tpu.memory_space<vmem>>, vector<1x10000xf32>
    %get3A_6 = vector.shape_cast %get3A_5 : vector<1x10000xf32> to vector<10000xf32>
    %add3A = arith.addf %get3A_2, %get3A_6 : vector<10000xf32>
    %get3A_7 = arith.constant 0 : index
    %get3A_8 = arith.constant 0 : index
    %get3A_9 = vector.load %arg1[%get3A_7, %get3A_8] : memref<2x10000xf32, #tpu.memory_space<vmem>>, vector<1x10000xf32>
    %get3A_10 = vector.shape_cast %get3A_9 : vector<1x10000xf32> to vector<10000xf32>
    %get3A_11 = arith.constant 1 : index
    %get3A_12 = arith.constant 0 : index
    %get3A_13 = vector.load %arg1[%get3A_11, %get3A_12] : memref<2x10000xf32, #tpu.memory_space<vmem>>, vector<1x10000xf32>
    %get3A_14 = vector.shape_cast %get3A_13 : vector<1x10000xf32> to vector<10000xf32>
    %add3A_15 = arith.addf %get3A_10, %get3A_14 : vector<10000xf32>
    %get3A_16 = arith.constant 0 : index
    %get3A_17 = arith.constant 0 : index
    %get3A_18 = vector.load %arg2[%get3A_16, %get3A_17] : memref<2x10000xf32, #tpu.memory_space<vmem>>, vector<1x10000xf32>
    %get3A_19 = vector.shape_cast %get3A_18 : vector<1x10000xf32> to vector<10000xf32>
    %get3A_20 = arith.constant 1 : index
    %get3A_21 = arith.constant 0 : index
    %get3A_22 = vector.load %arg2[%get3A_20, %get3A_21] : memref<2x10000xf32, #tpu.memory_space<vmem>>, vector<1x10000xf32>
    %get3A_23 = vector.shape_cast %get3A_22 : vector<1x10000xf32> to vector<10000xf32>
    %add3A_24 = arith.addf %get3A_19, %get3A_23 : vector<10000xf32>
    %max3A = arith.constant 1.000000e+00 : f32
    %max3A_25 = vector.broadcast %max3A : f32 to vector<10000xf32>
    %max3A_26 = arith.maximumf %add3A_24, %max3A_25 : vector<10000xf32>
    %div3A = arith.constant 1.000000e+00 : f32
    %div3A_27 = vector.broadcast %div3A : f32 to vector<10000xf32>
    %div3A_28 = arith.divf %div3A_27, %max3A_26 : vector<10000xf32>
    %mul3A = arith.mulf %add3A, %div3A_28 : vector<10000xf32>
    %broadcast_in_dim3A = vector.shape_cast %mul3A : vector<10000xf32> to vector<1x10000xf32>
    %mul3A_29 = arith.mulf %add3A_15, %div3A_28 : vector<10000xf32>
    %broadcast_in_dim3A_30 = vector.shape_cast %mul3A_29 : vector<10000xf32> to vector<1x10000xf32>
    %get3A_31 = arith.constant 0 : index
    %get3A_32 = arith.constant 0 : index
    %get3A_33 = vector.load %arg3[%get3A_31, %get3A_32] : memref<1x10000xf32, #tpu.memory_space<vmem>>, vector<1x10000xf32>
    %get3A_34 = arith.constant 0 : index
    %get3A_35 = arith.constant 0 : index
    %get3A_36 = vector.load %arg4[%get3A_34, %get3A_35] : memref<2x32xf32, #tpu.memory_space<vmem>>, vector<1x32xf32>
    %get3A_37 = vector.shape_cast %get3A_36 : vector<1x32xf32> to vector<32xf32>
    %broadcast_in_dim3A_38 = vector.shape_cast %get3A_37 : vector<32xf32> to vector<32x1xf32>
    %mul3A_39 = vector.broadcast %broadcast_in_dim3A_38 : vector<32x1xf32> to vector<32x10000xf32>
    %mul3A_40 = vector.broadcast %broadcast_in_dim3A : vector<1x10000xf32> to vector<32x10000xf32>
    %mul3A_41 = arith.mulf %mul3A_39, %mul3A_40 : vector<32x10000xf32>
    %get3A_42 = arith.constant 0 : index
    %get3A_43 = arith.constant 0 : index
    %get3A_44 = vector.load %arg5[%get3A_42, %get3A_43] : memref<2x32xf32, #tpu.memory_space<vmem>>, vector<1x32xf32>
    %get3A_45 = vector.shape_cast %get3A_44 : vector<1x32xf32> to vector<32xf32>
    %broadcast_in_dim3A_46 = vector.shape_cast %get3A_45 : vector<32xf32> to vector<32x1xf32>
    %mul3A_47 = vector.broadcast %broadcast_in_dim3A_46 : vector<32x1xf32> to vector<32x10000xf32>
    %mul3A_48 = vector.broadcast %broadcast_in_dim3A_30 : vector<1x10000xf32> to vector<32x10000xf32>
    %mul3A_49 = arith.mulf %mul3A_47, %mul3A_48 : vector<32x10000xf32>
    %add3A_50 = arith.addf %mul3A_41, %mul3A_49 : vector<32x10000xf32>
    %get3A_51 = arith.constant 0 : index
    %get3A_52 = arith.constant 0 : index
    %get3A_53 = vector.load %arg6[%get3A_51, %get3A_52] : memref<2x32xf32, #tpu.memory_space<vmem>>, vector<1x32xf32>
    %get3A_54 = vector.shape_cast %get3A_53 : vector<1x32xf32> to vector<32xf32>
    %broadcast_in_dim3A_55 = vector.shape_cast %get3A_54 : vector<32xf32> to vector<32x1xf32>
    %mul3A_56 = vector.broadcast %broadcast_in_dim3A_55 : vector<32x1xf32> to vector<32x10000xf32>
    %mul3A_57 = vector.broadcast %get3A_33 : vector<1x10000xf32> to vector<32x10000xf32>
    %mul3A_58 = arith.mulf %mul3A_56, %mul3A_57 : vector<32x10000xf32>
    %add3A_59 = arith.addf %add3A_50, %mul3A_58 : vector<32x10000xf32>
    %get3A_60 = arith.constant 0 : index
    %get3A_61 = arith.constant 0 : index
    %get3A_62 = arith.constant 0 : index
    %get3A_63 = vector.load %arg7[%get3A_60, %get3A_61, %get3A_62] : memref<2x16x32xf32, #tpu.memory_space<vmem>>, vector<1x16x32xf32>
    %get3A_64 = vector.shape_cast %get3A_63 : vector<1x16x32xf32> to vector<16x32xf32>
    %dot_general3A = arith.constant dense<0.000000e+00> : vector<16x10000xf32>
    %dot_general3A_65 = tpu.matmul %get3A_64, %add3A_59, %dot_general3A {dimension_numbers = #tpu.dot_dimension_numbers<[1], [0], [0], [1], [0, 0, 1, 1], [], []>, transpose_lhs_hint = false} : vector<16x32xf32>, vector<32x10000xf32>, vector<16x10000xf32> -> vector<16x10000xf32>
    %get3A_66 = arith.constant 0 : index
    %get3A_67 = arith.constant 0 : index
    %get3A_68 = vector.load %arg8[%get3A_66, %get3A_67] : memref<2x16xf32, #tpu.memory_space<vmem>>, vector<1x16xf32>
    %get3A_69 = vector.shape_cast %get3A_68 : vector<1x16xf32> to vector<16xf32>
    %broadcast_in_dim3A_70 = vector.shape_cast %get3A_69 : vector<16xf32> to vector<16x1xf32>
    %add3A_71 = vector.broadcast %broadcast_in_dim3A_70 : vector<16x1xf32> to vector<16x10000xf32>
    %add3A_72 = arith.addf %dot_general3A_65, %add3A_71 : vector<16x10000xf32>
    %max3A_73 = arith.constant 0.000000e+00 : f32
    %max3A_74 = vector.broadcast %max3A_73 : f32 to vector<16x10000xf32>
    %max3A_75 = arith.maximumf %add3A_72, %max3A_74 : vector<16x10000xf32>
    %get3A_76 = arith.constant 0 : index
    %get3A_77 = arith.constant 0 : index
    %get3A_78 = arith.constant 0 : index
    %get3A_79 = vector.load %arg9[%get3A_76, %get3A_77, %get3A_78] : memref<2x1x16xf32, #tpu.memory_space<vmem>>, vector<1x1x16xf32>
    %get3A_80 = vector.shape_cast %get3A_79 : vector<1x1x16xf32> to vector<1x16xf32>
    %dot_general3A_81 = arith.constant dense<0.000000e+00> : vector<1x10000xf32>
    %dot_general3A_82 = tpu.matmul %get3A_80, %max3A_75, %dot_general3A_81 {dimension_numbers = #tpu.dot_dimension_numbers<[1], [0], [0], [1], [0, 0, 1, 1], [], []>, transpose_lhs_hint = false} : vector<1x16xf32>, vector<16x10000xf32>, vector<1x10000xf32> -> vector<1x10000xf32>
    %get3A_83 = arith.constant 0 : index
    %get3A_84 = arith.constant 0 : index
    %get3A_85 = vector.load %arg10[%get3A_83, %get3A_84] : memref<2x1xf32, #tpu.memory_space<vmem>>, vector<1x1xf32>
    %get3A_86 = vector.shape_cast %get3A_85 : vector<1x1xf32> to vector<1xf32>
    %broadcast_in_dim3A_87 = vector.shape_cast %get3A_86 : vector<1xf32> to vector<1x1xf32>
    %add3A_88 = vector.broadcast %broadcast_in_dim3A_87 : vector<1x1xf32> to vector<1x10000xf32>
    %add3A_89 = arith.addf %dot_general3A_82, %add3A_88 : vector<1x10000xf32>
    %logistic3A = arith.negf %add3A_89 : vector<1x10000xf32>
    %logistic3A_90 = math.exp %logistic3A : vector<1x10000xf32>
    %logistic3A_91 = arith.constant 1.000000e+00 : f32
    %logistic3A_92 = vector.broadcast %logistic3A_91 : f32 to vector<1x10000xf32>
    %logistic3A_93 = arith.addf %logistic3A_92, %logistic3A_90 : vector<1x10000xf32>
    %logistic3A_94 = arith.divf %logistic3A_92, %logistic3A_93 : vector<1x10000xf32>
    %get3A_95 = arith.constant 1 : index
    %get3A_96 = arith.constant 0 : index
    %get3A_97 = vector.load %arg4[%get3A_95, %get3A_96] : memref<2x32xf32, #tpu.memory_space<vmem>>, vector<1x32xf32>
    %get3A_98 = vector.shape_cast %get3A_97 : vector<1x32xf32> to vector<32xf32>
    %broadcast_in_dim3A_99 = vector.shape_cast %get3A_98 : vector<32xf32> to vector<32x1xf32>
    %mul3A_100 = vector.broadcast %broadcast_in_dim3A_99 : vector<32x1xf32> to vector<32x10000xf32>
    %mul3A_101 = vector.broadcast %broadcast_in_dim3A : vector<1x10000xf32> to vector<32x10000xf32>
    %mul3A_102 = arith.mulf %mul3A_100, %mul3A_101 : vector<32x10000xf32>
    %get3A_103 = arith.constant 1 : index
    %get3A_104 = arith.constant 0 : index
    %get3A_105 = vector.load %arg5[%get3A_103, %get3A_104] : memref<2x32xf32, #tpu.memory_space<vmem>>, vector<1x32xf32>
    %get3A_106 = vector.shape_cast %get3A_105 : vector<1x32xf32> to vector<32xf32>
    %broadcast_in_dim3A_107 = vector.shape_cast %get3A_106 : vector<32xf32> to vector<32x1xf32>
    %mul3A_108 = vector.broadcast %broadcast_in_dim3A_107 : vector<32x1xf32> to vector<32x10000xf32>
    %mul3A_109 = vector.broadcast %broadcast_in_dim3A_30 : vector<1x10000xf32> to vector<32x10000xf32>
    %mul3A_110 = arith.mulf %mul3A_108, %mul3A_109 : vector<32x10000xf32>
    %add3A_111 = arith.addf %mul3A_102, %mul3A_110 : vector<32x10000xf32>
    %get3A_112 = arith.constant 1 : index
    %get3A_113 = arith.constant 0 : index
    %get3A_114 = vector.load %arg6[%get3A_112, %get3A_113] : memref<2x32xf32, #tpu.memory_space<vmem>>, vector<1x32xf32>
    %get3A_115 = vector.shape_cast %get3A_114 : vector<1x32xf32> to vector<32xf32>
    %broadcast_in_dim3A_116 = vector.shape_cast %get3A_115 : vector<32xf32> to vector<32x1xf32>
    %mul3A_117 = vector.broadcast %broadcast_in_dim3A_116 : vector<32x1xf32> to vector<32x10000xf32>
    %mul3A_118 = vector.broadcast %logistic3A_94 : vector<1x10000xf32> to vector<32x10000xf32>
    %mul3A_119 = arith.mulf %mul3A_117, %mul3A_118 : vector<32x10000xf32>
    %add3A_120 = arith.addf %add3A_111, %mul3A_119 : vector<32x10000xf32>
    %get3A_121 = arith.constant 1 : index
    %get3A_122 = arith.constant 0 : index
    %get3A_123 = arith.constant 0 : index
    %get3A_124 = vector.load %arg7[%get3A_121, %get3A_122, %get3A_123] : memref<2x16x32xf32, #tpu.memory_space<vmem>>, vector<1x16x32xf32>
    %get3A_125 = vector.shape_cast %get3A_124 : vector<1x16x32xf32> to vector<16x32xf32>
    %dot_general3A_126 = arith.constant dense<0.000000e+00> : vector<16x10000xf32>
    %dot_general3A_127 = tpu.matmul %get3A_125, %add3A_120, %dot_general3A_126 {dimension_numbers = #tpu.dot_dimension_numbers<[1], [0], [0], [1], [0, 0, 1, 1], [], []>, transpose_lhs_hint = false} : vector<16x32xf32>, vector<32x10000xf32>, vector<16x10000xf32> -> vector<16x10000xf32>
    %get3A_128 = arith.constant 1 : index
    %get3A_129 = arith.constant 0 : index
    %get3A_130 = vector.load %arg8[%get3A_128, %get3A_129] : memref<2x16xf32, #tpu.memory_space<vmem>>, vector<1x16xf32>
    %get3A_131 = vector.shape_cast %get3A_130 : vector<1x16xf32> to vector<16xf32>
    %broadcast_in_dim3A_132 = vector.shape_cast %get3A_131 : vector<16xf32> to vector<16x1xf32>
    %add3A_133 = vector.broadcast %broadcast_in_dim3A_132 : vector<16x1xf32> to vector<16x10000xf32>
    %add3A_134 = arith.addf %dot_general3A_127, %add3A_133 : vector<16x10000xf32>
    %max3A_135 = arith.constant 0.000000e+00 : f32
    %max3A_136 = vector.broadcast %max3A_135 : f32 to vector<16x10000xf32>
    %max3A_137 = arith.maximumf %add3A_134, %max3A_136 : vector<16x10000xf32>
    %get3A_138 = arith.constant 1 : index
    %get3A_139 = arith.constant 0 : index
    %get3A_140 = arith.constant 0 : index
    %get3A_141 = vector.load %arg9[%get3A_138, %get3A_139, %get3A_140] : memref<2x1x16xf32, #tpu.memory_space<vmem>>, vector<1x1x16xf32>
    %get3A_142 = vector.shape_cast %get3A_141 : vector<1x1x16xf32> to vector<1x16xf32>
    %dot_general3A_143 = arith.constant dense<0.000000e+00> : vector<1x10000xf32>
    %dot_general3A_144 = tpu.matmul %get3A_142, %max3A_137, %dot_general3A_143 {dimension_numbers = #tpu.dot_dimension_numbers<[1], [0], [0], [1], [0, 0, 1, 1], [], []>, transpose_lhs_hint = false} : vector<1x16xf32>, vector<16x10000xf32>, vector<1x10000xf32> -> vector<1x10000xf32>
    %get3A_145 = arith.constant 1 : index
    %get3A_146 = arith.constant 0 : index
    %get3A_147 = vector.load %arg10[%get3A_145, %get3A_146] : memref<2x1xf32, #tpu.memory_space<vmem>>, vector<1x1xf32>
    %get3A_148 = vector.shape_cast %get3A_147 : vector<1x1xf32> to vector<1xf32>
    %broadcast_in_dim3A_149 = vector.shape_cast %get3A_148 : vector<1xf32> to vector<1x1xf32>
    %add3A_150 = vector.broadcast %broadcast_in_dim3A_149 : vector<1x1xf32> to vector<1x10000xf32>
    %add3A_151 = arith.addf %dot_general3A_144, %add3A_150 : vector<1x10000xf32>
    %logistic3A_152 = arith.negf %add3A_151 : vector<1x10000xf32>
    %logistic3A_153 = math.exp %logistic3A_152 : vector<1x10000xf32>
    %logistic3A_154 = arith.constant 1.000000e+00 : f32
    %logistic3A_155 = vector.broadcast %logistic3A_154 : f32 to vector<1x10000xf32>
    %logistic3A_156 = arith.addf %logistic3A_155, %logistic3A_153 : vector<1x10000xf32>
    %logistic3A_157 = arith.divf %logistic3A_155, %logistic3A_156 : vector<1x10000xf32>
    %swap3A = arith.constant 0 : index
    %swap3A_158 = arith.constant 0 : index
    %swap3A_159 = vector.load %arg11[%swap3A, %swap3A_158] : memref<1x10000xf32, #tpu.memory_space<vmem>>, vector<1x10000xf32>
    tpu.vector_store %arg11[%swap3A, %swap3A_158], %logistic3A_157 {strides = array<i32>} : memref<1x10000xf32, #tpu.memory_space<vmem>>, vector<1x10000xf32>,
    return
  }
}

module attributes {stable_mosaic.version = 14 : i64} {
  func.func @_ue_dense_kernel(%arg0: i32, %arg1: memref<2x12800xf32, #tpu.memory_space<vmem>>, %arg2: memref<2x12800xf32, #tpu.memory_space<vmem>>, %arg3: memref<2x12800xf32, #tpu.memory_space<vmem>>, %arg4: memref<2x32xf32, #tpu.memory_space<vmem>>, %arg5: memref<2x16x2xf32, #tpu.memory_space<vmem>>, %arg6: memref<2x16xf32, #tpu.memory_space<vmem>>, %arg7: memref<2x32x16xf32, #tpu.memory_space<vmem>>, %arg8: memref<2x32xf32, #tpu.memory_space<vmem>>, %arg9: memref<2x16x32xf32, #tpu.memory_space<vmem>>, %arg10: memref<2x16xf32, #tpu.memory_space<vmem>>, %arg11: memref<2x1x16xf32, #tpu.memory_space<vmem>>, %arg12: memref<2x1xf32, #tpu.memory_space<vmem>>, %arg13: memref<2x12800xf32, #tpu.memory_space<vmem>>) attributes {dimension_semantics = [#tpu.dimension_semantics<arbitrary>], iteration_bounds = array<i64: 4>, scalar_prefetch = 0 : i64, scratch_operands = 0 : i64, tpu.core_type = #tpu.core_type<tc>, window_params = [{transform_indices = @transform_0, window_bounds = array<i64: 2, 12800>}, {transform_indices = @transform_1, window_bounds = array<i64: 2, 12800>}, {transform_indices = @transform_2, window_bounds = array<i64: 2, 12800>}, {pipeline_mode = #tpu.pipeline_mode<synchronous>, transform_indices = @transform_3, window_bounds = array<i64: 2, 32>}, {pipeline_mode = #tpu.pipeline_mode<synchronous>, transform_indices = @transform_4, window_bounds = array<i64: 2, 16, 2>}, {pipeline_mode = #tpu.pipeline_mode<synchronous>, transform_indices = @transform_5, window_bounds = array<i64: 2, 16>}, {pipeline_mode = #tpu.pipeline_mode<synchronous>, transform_indices = @transform_6, window_bounds = array<i64: 2, 32, 16>}, {pipeline_mode = #tpu.pipeline_mode<synchronous>, transform_indices = @transform_7, window_bounds = array<i64: 2, 32>}, {pipeline_mode = #tpu.pipeline_mode<synchronous>, transform_indices = @transform_8, window_bounds = array<i64: 2, 16, 32>}, {pipeline_mode = #tpu.pipeline_mode<synchronous>, transform_indices = @transform_9, window_bounds = array<i64: 2, 16>}, {pipeline_mode = #tpu.pipeline_mode<synchronous>, transform_indices = @transform_10, window_bounds = array<i64: 2, 1, 16>}, {pipeline_mode = #tpu.pipeline_mode<synchronous>, transform_indices = @transform_11, window_bounds = array<i64: 2, 1>}, {transform_indices = @transform_12, window_bounds = array<i64: 2, 12800>}]} {
    %get3A = arith.constant 0 : index
    %get3A_0 = arith.constant 0 : index
    %get3A_1 = vector.load %arg2[%get3A, %get3A_0] : memref<2x12800xf32, #tpu.memory_space<vmem>>, vector<1x12800xf32>
    %get3A_2 = vector.shape_cast %get3A_1 : vector<1x12800xf32> to vector<12800xf32>
    %get3A_3 = arith.constant 1 : index
    %get3A_4 = arith.constant 0 : index
    %get3A_5 = vector.load %arg2[%get3A_3, %get3A_4] : memref<2x12800xf32, #tpu.memory_space<vmem>>, vector<1x12800xf32>
    %get3A_6 = vector.shape_cast %get3A_5 : vector<1x12800xf32> to vector<12800xf32>
    %add3A = arith.addf %get3A_2, %get3A_6 : vector<12800xf32>
    %get3A_7 = arith.constant 0 : index
    %get3A_8 = arith.constant 0 : index
    %get3A_9 = vector.load %arg3[%get3A_7, %get3A_8] : memref<2x12800xf32, #tpu.memory_space<vmem>>, vector<1x12800xf32>
    %get3A_10 = vector.shape_cast %get3A_9 : vector<1x12800xf32> to vector<12800xf32>
    %get3A_11 = arith.constant 1 : index
    %get3A_12 = arith.constant 0 : index
    %get3A_13 = vector.load %arg3[%get3A_11, %get3A_12] : memref<2x12800xf32, #tpu.memory_space<vmem>>, vector<1x12800xf32>
    %get3A_14 = vector.shape_cast %get3A_13 : vector<1x12800xf32> to vector<12800xf32>
    %add3A_15 = arith.addf %get3A_10, %get3A_14 : vector<12800xf32>
    %max3A = arith.constant 1.000000e+00 : f32
    %max3A_16 = vector.broadcast %max3A : f32 to vector<12800xf32>
    %max3A_17 = arith.maximumf %add3A_15, %max3A_16 : vector<12800xf32>
    %div3A = arith.divf %add3A, %max3A_17 : vector<12800xf32>
    %broadcast_in_dim3A = vector.shape_cast %div3A : vector<12800xf32> to vector<1x12800xf32>
    %get3A_18 = arith.constant 0 : index
    %get3A_19 = arith.constant 0 : index
    %get3A_20 = vector.load %arg1[%get3A_18, %get3A_19] : memref<2x12800xf32, #tpu.memory_space<vmem>>, vector<2x12800xf32>
    %slice3A = vector.extract_strided_slice %get3A_20 {offsets = [0, 0], sizes = [1, 12800], strides = [1, 1]} : vector<2x12800xf32> to vector<1x12800xf32>
    %get3A_21 = arith.constant 0 : index
    %get3A_22 = arith.constant 0 : index
    %get3A_23 = vector.load %arg4[%get3A_21, %get3A_22] : memref<2x32xf32, #tpu.memory_space<vmem>>, vector<1x32xf32>
    %get3A_24 = vector.shape_cast %get3A_23 : vector<1x32xf32> to vector<32xf32>
    %broadcast_in_dim3A_25 = vector.shape_cast %get3A_24 : vector<32xf32> to vector<32x1xf32>
    %mul3A = vector.broadcast %broadcast_in_dim3A_25 : vector<32x1xf32> to vector<32x12800xf32>
    %mul3A_26 = vector.broadcast %broadcast_in_dim3A : vector<1x12800xf32> to vector<32x12800xf32>
    %mul3A_27 = arith.mulf %mul3A, %mul3A_26 : vector<32x12800xf32>
    %get3A_28 = arith.constant 0 : index
    %get3A_29 = arith.constant 0 : index
    %get3A_30 = arith.constant 0 : index
    %get3A_31 = vector.load %arg5[%get3A_28, %get3A_29, %get3A_30] : memref<2x16x2xf32, #tpu.memory_space<vmem>>, vector<1x16x2xf32>
    %get3A_32 = vector.shape_cast %get3A_31 : vector<1x16x2xf32> to vector<16x2xf32>
    %dot_general3A = arith.constant dense<0.000000e+00> : vector<16x12800xf32>
    %dot_general3A_33 = tpu.matmul %get3A_32, %get3A_20, %dot_general3A {dimension_numbers = #tpu.dot_dimension_numbers<[1], [0], [0], [1], [0, 0, 1, 1], [], []>, transpose_lhs_hint = false} : vector<16x2xf32>, vector<2x12800xf32>, vector<16x12800xf32> -> vector<16x12800xf32>
    %get3A_34 = arith.constant 0 : index
    %get3A_35 = arith.constant 0 : index
    %get3A_36 = vector.load %arg6[%get3A_34, %get3A_35] : memref<2x16xf32, #tpu.memory_space<vmem>>, vector<1x16xf32>
    %get3A_37 = vector.shape_cast %get3A_36 : vector<1x16xf32> to vector<16xf32>
    %broadcast_in_dim3A_38 = vector.shape_cast %get3A_37 : vector<16xf32> to vector<16x1xf32>
    %add3A_39 = vector.broadcast %broadcast_in_dim3A_38 : vector<16x1xf32> to vector<16x12800xf32>
    %add3A_40 = arith.addf %dot_general3A_33, %add3A_39 : vector<16x12800xf32>
    %max3A_41 = arith.constant 0.000000e+00 : f32
    %max3A_42 = vector.broadcast %max3A_41 : f32 to vector<16x12800xf32>
    %max3A_43 = arith.maximumf %add3A_40, %max3A_42 : vector<16x12800xf32>
    %get3A_44 = arith.constant 0 : index
    %get3A_45 = arith.constant 0 : index
    %get3A_46 = arith.constant 0 : index
    %get3A_47 = vector.load %arg7[%get3A_44, %get3A_45, %get3A_46] : memref<2x32x16xf32, #tpu.memory_space<vmem>>, vector<1x32x16xf32>
    %get3A_48 = vector.shape_cast %get3A_47 : vector<1x32x16xf32> to vector<32x16xf32>
    %dot_general3A_49 = arith.constant dense<0.000000e+00> : vector<32x12800xf32>
    %dot_general3A_50 = tpu.matmul %get3A_48, %max3A_43, %dot_general3A_49 {dimension_numbers = #tpu.dot_dimension_numbers<[1], [0], [0], [1], [0, 0, 1, 1], [], []>, transpose_lhs_hint = false} : vector<32x16xf32>, vector<16x12800xf32>, vector<32x12800xf32> -> vector<32x12800xf32>
    %get3A_51 = arith.constant 0 : index
    %get3A_52 = arith.constant 0 : index
    %get3A_53 = vector.load %arg8[%get3A_51, %get3A_52] : memref<2x32xf32, #tpu.memory_space<vmem>>, vector<1x32xf32>
    %get3A_54 = vector.shape_cast %get3A_53 : vector<1x32xf32> to vector<32xf32>
    %broadcast_in_dim3A_55 = vector.shape_cast %get3A_54 : vector<32xf32> to vector<32x1xf32>
    %add3A_56 = vector.broadcast %broadcast_in_dim3A_55 : vector<32x1xf32> to vector<32x12800xf32>
    %add3A_57 = arith.addf %dot_general3A_50, %add3A_56 : vector<32x12800xf32>
    %max3A_58 = arith.constant 0.000000e+00 : f32
    %max3A_59 = vector.broadcast %max3A_58 : f32 to vector<32x12800xf32>
    %max3A_60 = arith.maximumf %add3A_57, %max3A_59 : vector<32x12800xf32>
    %add3A_61 = arith.addf %mul3A_27, %max3A_60 : vector<32x12800xf32>
    %get3A_62 = arith.constant 0 : index
    %get3A_63 = arith.constant 0 : index
    %get3A_64 = arith.constant 0 : index
    %get3A_65 = vector.load %arg9[%get3A_62, %get3A_63, %get3A_64] : memref<2x16x32xf32, #tpu.memory_space<vmem>>, vector<1x16x32xf32>
    %get3A_66 = vector.shape_cast %get3A_65 : vector<1x16x32xf32> to vector<16x32xf32>
    %dot_general3A_67 = arith.constant dense<0.000000e+00> : vector<16x12800xf32>
    %dot_general3A_68 = tpu.matmul %get3A_66, %add3A_61, %dot_general3A_67 {dimension_numbers = #tpu.dot_dimension_numbers<[1], [0], [0], [1], [0, 0, 1, 1], [], []>, transpose_lhs_hint = false} : vector<16x32xf32>, vector<32x12800xf32>, vector<16x12800xf32> -> vector<16x12800xf32>
    %get3A_69 = arith.constant 0 : index
    %get3A_70 = arith.constant 0 : index
    %get3A_71 = vector.load %arg10[%get3A_69, %get3A_70] : memref<2x16xf32, #tpu.memory_space<vmem>>, vector<1x16xf32>
    %get3A_72 = vector.shape_cast %get3A_71 : vector<1x16xf32> to vector<16xf32>
    %broadcast_in_dim3A_73 = vector.shape_cast %get3A_72 : vector<16xf32> to vector<16x1xf32>
    %add3A_74 = vector.broadcast %broadcast_in_dim3A_73 : vector<16x1xf32> to vector<16x12800xf32>
    %add3A_75 = arith.addf %dot_general3A_68, %add3A_74 : vector<16x12800xf32>
    %max3A_76 = arith.constant 0.000000e+00 : f32
    %max3A_77 = vector.broadcast %max3A_76 : f32 to vector<16x12800xf32>
    %max3A_78 = arith.maximumf %add3A_75, %max3A_77 : vector<16x12800xf32>
    %get3A_79 = arith.constant 0 : index
    %get3A_80 = arith.constant 0 : index
    %get3A_81 = arith.constant 0 : index
    %get3A_82 = vector.load %arg11[%get3A_79, %get3A_80, %get3A_81] : memref<2x1x16xf32, #tpu.memory_space<vmem>>, vector<1x1x16xf32>
    %get3A_83 = vector.shape_cast %get3A_82 : vector<1x1x16xf32> to vector<1x16xf32>
    %dot_general3A_84 = arith.constant dense<0.000000e+00> : vector<1x12800xf32>
    %dot_general3A_85 = tpu.matmul %get3A_83, %max3A_78, %dot_general3A_84 {dimension_numbers = #tpu.dot_dimension_numbers<[1], [0], [0], [1], [0, 0, 1, 1], [], []>, transpose_lhs_hint = false} : vector<1x16xf32>, vector<16x12800xf32>, vector<1x12800xf32> -> vector<1x12800xf32>
    %get3A_86 = arith.constant 0 : index
    %get3A_87 = arith.constant 0 : index
    %get3A_88 = vector.load %arg12[%get3A_86, %get3A_87] : memref<2x1xf32, #tpu.memory_space<vmem>>, vector<1x1xf32>
    %get3A_89 = vector.shape_cast %get3A_88 : vector<1x1xf32> to vector<1xf32>
    %broadcast_in_dim3A_90 = vector.shape_cast %get3A_89 : vector<1xf32> to vector<1x1xf32>
    %add3A_91 = vector.broadcast %broadcast_in_dim3A_90 : vector<1x1xf32> to vector<1x12800xf32>
    %add3A_92 = arith.addf %dot_general3A_85, %add3A_91 : vector<1x12800xf32>
    %logistic3A = arith.negf %add3A_92 : vector<1x12800xf32>
    %logistic3A_93 = math.exp %logistic3A : vector<1x12800xf32>
    %logistic3A_94 = arith.constant 1.000000e+00 : f32
    %logistic3A_95 = vector.broadcast %logistic3A_94 : f32 to vector<1x12800xf32>
    %logistic3A_96 = arith.addf %logistic3A_95, %logistic3A_93 : vector<1x12800xf32>
    %logistic3A_97 = arith.divf %logistic3A_95, %logistic3A_96 : vector<1x12800xf32>
    %concatenate3A = tpu.concatenate %slice3A, %logistic3A_97 in 0 : vector<1x12800xf32>, vector<1x12800xf32> -> vector<2x12800xf32>
    %get3A_98 = arith.constant 1 : index
    %get3A_99 = arith.constant 0 : index
    %get3A_100 = vector.load %arg4[%get3A_98, %get3A_99] : memref<2x32xf32, #tpu.memory_space<vmem>>, vector<1x32xf32>
    %get3A_101 = vector.shape_cast %get3A_100 : vector<1x32xf32> to vector<32xf32>
    %broadcast_in_dim3A_102 = vector.shape_cast %get3A_101 : vector<32xf32> to vector<32x1xf32>
    %mul3A_103 = vector.broadcast %broadcast_in_dim3A_102 : vector<32x1xf32> to vector<32x12800xf32>
    %mul3A_104 = vector.broadcast %broadcast_in_dim3A : vector<1x12800xf32> to vector<32x12800xf32>
    %mul3A_105 = arith.mulf %mul3A_103, %mul3A_104 : vector<32x12800xf32>
    %get3A_106 = arith.constant 1 : index
    %get3A_107 = arith.constant 0 : index
    %get3A_108 = arith.constant 0 : index
    %get3A_109 = vector.load %arg5[%get3A_106, %get3A_107, %get3A_108] : memref<2x16x2xf32, #tpu.memory_space<vmem>>, vector<1x16x2xf32>
    %get3A_110 = vector.shape_cast %get3A_109 : vector<1x16x2xf32> to vector<16x2xf32>
    %dot_general3A_111 = arith.constant dense<0.000000e+00> : vector<16x12800xf32>
    %dot_general3A_112 = tpu.matmul %get3A_110, %concatenate3A, %dot_general3A_111 {dimension_numbers = #tpu.dot_dimension_numbers<[1], [0], [0], [1], [0, 0, 1, 1], [], []>, transpose_lhs_hint = false} : vector<16x2xf32>, vector<2x12800xf32>, vector<16x12800xf32> -> vector<16x12800xf32>
    %get3A_113 = arith.constant 1 : index
    %get3A_114 = arith.constant 0 : index
    %get3A_115 = vector.load %arg6[%get3A_113, %get3A_114] : memref<2x16xf32, #tpu.memory_space<vmem>>, vector<1x16xf32>
    %get3A_116 = vector.shape_cast %get3A_115 : vector<1x16xf32> to vector<16xf32>
    %broadcast_in_dim3A_117 = vector.shape_cast %get3A_116 : vector<16xf32> to vector<16x1xf32>
    %add3A_118 = vector.broadcast %broadcast_in_dim3A_117 : vector<16x1xf32> to vector<16x12800xf32>
    %add3A_119 = arith.addf %dot_general3A_112, %add3A_118 : vector<16x12800xf32>
    %max3A_120 = arith.constant 0.000000e+00 : f32
    %max3A_121 = vector.broadcast %max3A_120 : f32 to vector<16x12800xf32>
    %max3A_122 = arith.maximumf %add3A_119, %max3A_121 : vector<16x12800xf32>
    %get3A_123 = arith.constant 1 : index
    %get3A_124 = arith.constant 0 : index
    %get3A_125 = arith.constant 0 : index
    %get3A_126 = vector.load %arg7[%get3A_123, %get3A_124, %get3A_125] : memref<2x32x16xf32, #tpu.memory_space<vmem>>, vector<1x32x16xf32>
    %get3A_127 = vector.shape_cast %get3A_126 : vector<1x32x16xf32> to vector<32x16xf32>
    %dot_general3A_128 = arith.constant dense<0.000000e+00> : vector<32x12800xf32>
    %dot_general3A_129 = tpu.matmul %get3A_127, %max3A_122, %dot_general3A_128 {dimension_numbers = #tpu.dot_dimension_numbers<[1], [0], [0], [1], [0, 0, 1, 1], [], []>, transpose_lhs_hint = false} : vector<32x16xf32>, vector<16x12800xf32>, vector<32x12800xf32> -> vector<32x12800xf32>
    %get3A_130 = arith.constant 1 : index
    %get3A_131 = arith.constant 0 : index
    %get3A_132 = vector.load %arg8[%get3A_130, %get3A_131] : memref<2x32xf32, #tpu.memory_space<vmem>>, vector<1x32xf32>
    %get3A_133 = vector.shape_cast %get3A_132 : vector<1x32xf32> to vector<32xf32>
    %broadcast_in_dim3A_134 = vector.shape_cast %get3A_133 : vector<32xf32> to vector<32x1xf32>
    %add3A_135 = vector.broadcast %broadcast_in_dim3A_134 : vector<32x1xf32> to vector<32x12800xf32>
    %add3A_136 = arith.addf %dot_general3A_129, %add3A_135 : vector<32x12800xf32>
    %max3A_137 = arith.constant 0.000000e+00 : f32
    %max3A_138 = vector.broadcast %max3A_137 : f32 to vector<32x12800xf32>
    %max3A_139 = arith.maximumf %add3A_136, %max3A_138 : vector<32x12800xf32>
    %add3A_140 = arith.addf %mul3A_105, %max3A_139 : vector<32x12800xf32>
    %get3A_141 = arith.constant 1 : index
    %get3A_142 = arith.constant 0 : index
    %get3A_143 = arith.constant 0 : index
    %get3A_144 = vector.load %arg9[%get3A_141, %get3A_142, %get3A_143] : memref<2x16x32xf32, #tpu.memory_space<vmem>>, vector<1x16x32xf32>
    %get3A_145 = vector.shape_cast %get3A_144 : vector<1x16x32xf32> to vector<16x32xf32>
    %dot_general3A_146 = arith.constant dense<0.000000e+00> : vector<16x12800xf32>
    %dot_general3A_147 = tpu.matmul %get3A_145, %add3A_140, %dot_general3A_146 {dimension_numbers = #tpu.dot_dimension_numbers<[1], [0], [0], [1], [0, 0, 1, 1], [], []>, transpose_lhs_hint = false} : vector<16x32xf32>, vector<32x12800xf32>, vector<16x12800xf32> -> vector<16x12800xf32>
    %get3A_148 = arith.constant 1 : index
    %get3A_149 = arith.constant 0 : index
    %get3A_150 = vector.load %arg10[%get3A_148, %get3A_149] : memref<2x16xf32, #tpu.memory_space<vmem>>, vector<1x16xf32>
    %get3A_151 = vector.shape_cast %get3A_150 : vector<1x16xf32> to vector<16xf32>
    %broadcast_in_dim3A_152 = vector.shape_cast %get3A_151 : vector<16xf32> to vector<16x1xf32>
    %add3A_153 = vector.broadcast %broadcast_in_dim3A_152 : vector<16x1xf32> to vector<16x12800xf32>
    %add3A_154 = arith.addf %dot_general3A_147, %add3A_153 : vector<16x12800xf32>
    %max3A_155 = arith.constant 0.000000e+00 : f32
    %max3A_156 = vector.broadcast %max3A_155 : f32 to vector<16x12800xf32>
    %max3A_157 = arith.maximumf %add3A_154, %max3A_156 : vector<16x12800xf32>
    %get3A_158 = arith.constant 1 : index
    %get3A_159 = arith.constant 0 : index
    %get3A_160 = arith.constant 0 : index
    %get3A_161 = vector.load %arg11[%get3A_158, %get3A_159, %get3A_160] : memref<2x1x16xf32, #tpu.memory_space<vmem>>, vector<1x1x16xf32>
    %get3A_162 = vector.shape_cast %get3A_161 : vector<1x1x16xf32> to vector<1x16xf32>
    %dot_general3A_163 = arith.constant dense<0.000000e+00> : vector<1x12800xf32>
    %dot_general3A_164 = tpu.matmul %get3A_162, %max3A_157, %dot_general3A_163 {dimension_numbers = #tpu.dot_dimension_numbers<[1], [0], [0], [1], [0, 0, 1, 1], [], []>, transpose_lhs_hint = false} : vector<1x16xf32>, vector<16x12800xf32>, vector<1x12800xf32> -> vector<1x12800xf32>
    %get3A_165 = arith.constant 1 : index
    %get3A_166 = arith.constant 0 : index
    %get3A_167 = vector.load %arg12[%get3A_165, %get3A_166] : memref<2x1xf32, #tpu.memory_space<vmem>>, vector<1x1xf32>
    %get3A_168 = vector.shape_cast %get3A_167 : vector<1x1xf32> to vector<1xf32>
    %broadcast_in_dim3A_169 = vector.shape_cast %get3A_168 : vector<1xf32> to vector<1x1xf32>
    %add3A_170 = vector.broadcast %broadcast_in_dim3A_169 : vector<1x1xf32> to vector<1x12800xf32>
    %add3A_171 = arith.addf %dot_general3A_164, %add3A_170 : vector<1x12800xf32>
    %logistic3A_172 = arith.negf %add3A_171 : vector<1x12800xf32>
    %logistic3A_173 = math.exp %logistic3A_172 : vector<1x12800xf32>
    %logistic3A_174 = arith.constant 1.000000e+00 : f32
    %logistic3A_175 = vector.broadcast %logistic3A_174 : f32 to vector<1x12800xf32>
    %logistic3A_176 = arith.addf %logistic3A_175, %logistic3A_173 : vector<1x12800xf32>
    %logistic3A_177 = arith.divf %logistic3A_175, %logistic3A_176 : vector<1x12800xf32>
    %concatenate3A_178 = tpu.concatenate %slice3A, %logistic3A_177 in 0 : vector<1x12800xf32>, vector<1x12800xf32> -> vector<2x12800xf32>
    %swap3A = arith.constant 0 : index
    %swap3A_179 = arith.constant 0 : index
    %swap3A_180 = vector.load %arg13[%swap3A, %swap3A_179] : memref<2x12800xf32, #tpu.memory_space<vmem>>, vector<2x12800xf32>
    tpu.vector_store %arg13[%swap3A, %swap3A_179], %concatenate3A_178 {strides = array<i32>} : memref<2x12800xf32, #tpu.memory_space<vmem>>, vector<2x12800xf32>,
    return
  }
  func.func @transform_0(%arg0: i32) -> (i32, i32) {
    %c0_i32 = arith.constant 0 : i32
    %c0_i32_0 = arith.constant 0 : i32
    return %c0_i32, %arg0 : i32, i32
  }
  func.func @transform_1(%arg0: i32) -> (i32, i32) {
    %c0_i32 = arith.constant 0 : i32
    %c0_i32_0 = arith.constant 0 : i32
    return %c0_i32, %arg0 : i32, i32
  }
  func.func @transform_2(%arg0: i32) -> (i32, i32) {
    %c0_i32 = arith.constant 0 : i32
    %c0_i32_0 = arith.constant 0 : i32
    return %c0_i32, %arg0 : i32, i32
  }
  func.func @transform_3(%arg0: i32) -> (i32, i32) {
    %c0_i32 = arith.constant 0 : i32
    %c0_i32_0 = arith.constant 0 : i32
    %c0_i32_1 = arith.constant 0 : i32
    return %c0_i32, %c0_i32_0 : i32, i32
  }
  func.func @transform_4(%arg0: i32) -> (i32, i32, i32) {
    %c0_i32 = arith.constant 0 : i32
    %c0_i32_0 = arith.constant 0 : i32
    %c0_i32_1 = arith.constant 0 : i32
    %c0_i32_2 = arith.constant 0 : i32
    return %c0_i32, %c0_i32_0, %c0_i32_1 : i32, i32, i32
  }
  func.func @transform_5(%arg0: i32) -> (i32, i32) {
    %c0_i32 = arith.constant 0 : i32
    %c0_i32_0 = arith.constant 0 : i32
    %c0_i32_1 = arith.constant 0 : i32
    return %c0_i32, %c0_i32_0 : i32, i32
  }
  func.func @transform_6(%arg0: i32) -> (i32, i32, i32) {
    %c0_i32 = arith.constant 0 : i32
    %c0_i32_0 = arith.constant 0 : i32
    %c0_i32_1 = arith.constant 0 : i32
    %c0_i32_2 = arith.constant 0 : i32
    return %c0_i32, %c0_i32_0, %c0_i32_1 : i32, i32, i32
  }
  func.func @transform_7(%arg0: i32) -> (i32, i32) {
    %c0_i32 = arith.constant 0 : i32
    %c0_i32_0 = arith.constant 0 : i32
    %c0_i32_1 = arith.constant 0 : i32
    return %c0_i32, %c0_i32_0 : i32, i32
  }
  func.func @transform_8(%arg0: i32) -> (i32, i32, i32) {
    %c0_i32 = arith.constant 0 : i32
    %c0_i32_0 = arith.constant 0 : i32
    %c0_i32_1 = arith.constant 0 : i32
    %c0_i32_2 = arith.constant 0 : i32
    return %c0_i32, %c0_i32_0, %c0_i32_1 : i32, i32, i32
  }
  func.func @transform_9(%arg0: i32) -> (i32, i32) {
    %c0_i32 = arith.constant 0 : i32
    %c0_i32_0 = arith.constant 0 : i32
    %c0_i32_1 = arith.constant 0 : i32
    return %c0_i32, %c0_i32_0 : i32, i32
  }
  func.func @transform_10(%arg0: i32) -> (i32, i32, i32) {
    %c0_i32 = arith.constant 0 : i32
    %c0_i32_0 = arith.constant 0 : i32
    %c0_i32_1 = arith.constant 0 : i32
    %c0_i32_2 = arith.constant 0 : i32
    return %c0_i32, %c0_i32_0, %c0_i32_1 : i32, i32, i32
  }
  func.func @transform_11(%arg0: i32) -> (i32, i32) {
    %c0_i32 = arith.constant 0 : i32
    %c0_i32_0 = arith.constant 0 : i32
    %c0_i32_1 = arith.constant 0 : i32
    return %c0_i32, %c0_i32_0 : i32, i32
  }
  func.func @transform_12(%arg0: i32) -> (i32, i32) {
    %c0_i32 = arith.constant 0 : i32
    %c0_i32_0 = arith.constant 0 : i32
    return %c0_i32, %arg0 : i32, i32
  }
}

</mosaic_0001>

<sc_bundles>
// kernel: kernel.5.cloned.1.call-start
scs
__scs_entry_jumppad:
0x0: {  	(pc) =	sbr.rel $0x88, $3  }
0x1: {  	(tag) =	ssettag $0x0;
	lr =	simm.s32 $0x1  }
0x2: {  	[smem:$0x3F72] =	sst lr;
	_ =	strace $0xD0000000  }
0x3: {  	_ = 	snop  }
0x4: {  	_ = 	snop  }
0x5: {  	_ = 	snop  }
0x6: {  	_ = 	snop  }
0x7: {  	_ = 	snop  }
__scs_overlays_trampoline_lowered:
0x8: {  	[smem:$0x3F81] =	sst s0  }
0x9: {  	[smem:$0x3F82] =	sst s1  }
0xa: {  	[smem:$0x3F83] =	sst s2  }
0xb: {  	[smem:$0x3F84] =	sst s3  }
0xc: {  	[smem:$0x3F85] =	sst s4  }
0xd: {  	[smem:$0x3F86] =	sst s5  }
0xe: {  	[smem:$0x3F87] =	sst s6  }
0xf: {  	[smem:$0x3F88] =	sst s7  }
0x10: {  	[smem:$0x3F89] =	sst s8  }
0x11: {  	[smem:$0x3F8A] =	sst s9;
	s0 =	simm.s32 @!p0 $0x0  }
0x12: {  	s1 =	sld [smem:$0x3F70];
	s0 =	simm.s32 @p0 $0x1  }
0x13: {  	[smem:$0x3F8B] =	sst s0;
	s0 =	simm.s32 @!p1 $0x0  }
0x14: {  	s2 =	sld [smem:$0x3F6F];
	s0 =	simm.s32 @p1 $0x1  }
0x15: {  	[smem:$0x3F8C] =	sst s0;
	s0 =	simm.s32 @!p2 $0x0  }
0x16: {  	s3 =	sld [smem:$0x3FDB];
	s0 =	simm.s32 @p2 $0x1  }
0x17: {  	s4 =	simm.s32 $0x1BF5;
	[smem:$0x3F8E] =	sst s0  }
0x18: {  	s0 =	sld [smem:$0x3F71];
	_ =	swait.ge [sflag:s4], $0x0  }
0x19: {  	s7 =	sld [smem:$0x3F72]  }
0x1a: {  	s8 =	sadd.s32 $0xFFFFE003, lr  }
0x1b: {  	s9 =	sadd.s32 $0xFFFFFEF7, lr;
	s5 =	simm.s32 $0xFFFFFFFF;
	p2 =	slt.u32 s8, $0xFFFFF086  }
0x1c: {  	p1 =	slt.u32 s9, $0xF7A;
	s5 =	simm.s32 @!p2 $0x0  }
0x1d: {  	s5 =	simm.s32 @p1 $0x1;
	p0 =	seq.s32 s7, s2  }
0x1e: {  	s7 =	smul.u32 @!p0 $0xF7A, s2;
	p2 =	seq.s32 @!p0 s5, $0x0  }
0x1f: {  	s9 =	smul.u32 $0xF7A, s1;
	s8 =	simm.s32 @!p0 $0x1BF5;
	p2 =	por !p2, p0  }
0x20: {  	[sflag:s8] =	ssyncset.s32 @!p0 $0xFFFFF086;
	s6 =	sadd.s32 @!p0 s3, s7;
	s7 =	simm.s32 @!p0 $0x108  }
0x21: {  	s3 =	sadd.s32 s3, s9;
	s6 =	sadd.s32 @!p0 $0x88, s6;
	s7 =	simm.s32 @p2 $0x1082  }
0x22: {  	[simem:s7], [sflag:s8] =	dma.local @!p0 [hbm:s6], $0xF7A  }
0x23: {  	s9 =	sor.u32 $0xD0000000, s2;
	s6 =	simm.s32 $0x108;
	_ =	swait.ge @!p0 [sflag:s8], $0x0  }
0x24: {  	s3 =	sadd.s32 $0x88, s3;
	s6 =	simm.s32 @!p1 $0x1082;
	[sflag:s4] =	ssyncset.s32 $0xFFFFF086  }
0x25: {  	[simem:s6], [sflag:s4] =	dma.local [hbm:s3], $0xF7A  }
0x26: {  	[smem:$0x3F72] =	sst s1;
	(tag) =	ssettag s2;
	_ =	strace s9  }
0x27: {  	s1 =	sld [smem:$0x3F82]  }
0x28: {  	s2 =	sld [smem:$0x3F83]  }
0x29: {  	s4 =	sld [smem:$0x3F85]  }
0x2a: {  	p0 =	seq.s32 s5, $0x0;
	s5 =	sld [smem:$0x3F86]  }
0x2b: {  	s6 =	sld [smem:$0x3F87]  }
0x2c: {  	s7 =	sld [smem:$0x3F88]  }
0x2d: {  	s3 =	simm.s32 $0x108;
	s8 =	sld [smem:$0x3F89]  }
0x2e: {  	s3 =	simm.s32 @!p0 $0x1082;
	s9 =	sld [smem:$0x3F8A]  }
0x2f: {  	lr =	sadd.s32 s0, s3;
	s0 =	sld [smem:$0x3F81]  }
0x30: {  	s3 =	sld [smem:$0x3F84]  }
0x31: {  	[smem:$0x3F8D] =	sst s10  }
0x32: {  	s10 =	sld [smem:$0x3F8B];
	_ =	sdelay $0x3  }
0x33: {  	p0 =	seq.s32 s10, $0x1;
	s10 =	sld [smem:$0x3F8D];
	_ =	sdelay $0x3  }
0x34: {  	[smem:$0x3F8D] =	sst s10  }
0x35: {  	s10 =	sld [smem:$0x3F8C];
	_ =	sdelay $0x3  }
0x36: {  	p1 =	seq.s32 s10, $0x1;
	s10 =	sld [smem:$0x3F8D];
	_ =	sdelay $0x3  }
0x37: {  	[smem:$0x3F8D] =	sst s10  }
0x38: {  	s10 =	sld [smem:$0x3F8E]  }
0x39: {  	_ = 	snop;
	(pc) =	sbr.ind lr, $3  }
0x3a: {  	_ = 	snop  }
0x3b: {  	_ = 	snop  }
0x3c: {  	p2 =	seq.s32 s10, $0x1;
	s10 =	sld [smem:$0x3F8D]  }
0x3d: {  	_ =	shalt  }
0x3e: {  	_ =	shalt  }
0x3f: {  	_ =	shalt  }
0x40: {  	_ =	shalt  }
0x41: {  	_ =	shalt  }
0x42: {  	_ =	shalt  }
0x43: {  	_ =	shalt  }
0x44: {  	_ =	shalt  }
0x45: {  	_ =	shalt  }
0x46: {  	_ =	shalt  }
0x47: {  	_ =	shalt  }
0x48: {  	_ =	shalt  }
0x49: {  	_ =	shalt  }
0x4a: {  	_ =	shalt  }
0x4b: {  	_ =	shalt  }
0x4c: {  	_ =	shalt  }
0x4d: {  	_ =	shalt  }
0x4e: {  	_ =	shalt  }
0x4f: {  	_ =	shalt  }
0x50: {  	_ =	shalt  }
0x51: {  	_ =	shalt  }
0x52: {  	_ =	shalt  }
0x53: {  	_ =	shalt  }
0x54: {  	_ =	shalt  }
0x55: {  	_ =	shalt  }
0x56: {  	_ =	shalt  }
0x57: {  	_ =	shalt  }
0x58: {  	_ =	shalt  }
0x59: {  	_ =	shalt  }
0x5a: {  	_ =	shalt  }
0x5b: {  	_ =	shalt  }
0x5c: {  	_ =	shalt  }
0x5d: {  	_ =	shalt  }
0x5e: {  	_ =	shalt  }
0x5f: {  	_ =	shalt  }
0x60: {  	_ =	shalt  }
0x61: {  	_ =	shalt  }
0x62: {  	_ =	shalt  }
0x63: {  	_ =	shalt  }
0x64: {  	_ =	shalt  }
0x65: {  	_ =	shalt  }
0x66: {  	_ =	shalt  }
0x67: {  	_ =	shalt  }
0x68: {  	_ =	shalt  }
0x69: {  	_ =	shalt  }
0x6a: {  	_ =	shalt  }
0x6b: {  	_ =	shalt  }
0x6c: {  	_ =	shalt  }
0x6d: {  	_ =	shalt  }
0x6e: {  	_ =	shalt  }
0x6f: {  	_ =	shalt  }
0x70: {  	_ =	shalt  }
0x71: {  	_ =	shalt  }
0x72: {  	_ =	shalt  }
0x73: {  	_ =	shalt  }
0x74: {  	_ =	shalt  }
0x75: {  	_ =	shalt  }
0x76: {  	_ =	shalt  }
0x77: {  	_ =	shalt  }
0x78: {  	_ =	shalt  }
0x79: {  	_ =	shalt  }
0x7a: {  	_ =	shalt  }
0x7b: {  	_ =	shalt  }
0x7c: {  	_ =	shalt  }
0x7d: {  	_ =	shalt  }
0x7e: {  	_ =	shalt  }
0x7f: {  	_ =	shalt  }
0x80: {  	_ =	shalt  }
0x81: {  	_ =	shalt  }
0x82: {  	_ =	shalt  }
0x83: {  	_ =	shalt  }
0x84: {  	_ =	shalt  }
0x85: {  	_ =	shalt  }
0x86: {  	_ =	shalt  }
0x87: {  	_ =	shalt  }
.Lfunc_end0:
.L_simem_size_0:
called_computation_lowered:
.L_overlay_start_0:
0x88: {  	s2 =	sld [smem:$0x3FD9]  }
0x89: {  	s3 =	sld [smem:$0x3FFE];
	_ =	sdelay $0x1  }
0x8a: {  	s1 =	srdreg.scid  }
0x8b: {  	s0 =	sand.u32 $0x1, s1  }
0x8c: {  	s14 =	sshll.u32 s0, $0xA;
	s2 =	sadd.s32 s3, s2  }
0x8d: {  	s2 =	sadd.s32 s2, s14  }
0x8e: {  	[smem:$0x3F99] =	sst s2  }
0x8f: {  	_ = 	snop  }
0x90: {  	s2 =	sld [smem:$0x3FD0]  }
0x91: {  	s15 =	sld [smem:$0x3F9D]  }
0x92: {  	s4 =	sld [smem:$0x3F9C]  }
0x93: {  	s6 =	simm.s32 $0xA;
	s7 =	simm.s32 $0x10;
	s5 =	sld [smem:$0x3F9B]  }
0x94: {  	[smem:s7], [sflag:s6] =	dma.local [hbm:s2], $0x1  }
0x95: {  	_ =	swait.eq [sflag:s6], $0x1  }
0x96: {  	[sflag:s6] =	ssyncset.done $0x0  }
0x97: {  	s16 =	sld [smem:$0x10];
	[sflag:s6] =	ssyncadd.s32 $0xFFFFFFFF  }
0x98: {  	s17 =	sld [smem:$0x11];
	(tm) =	ssettm $0x1  }
0x99: {  	s18 =	sld [smem:$0x3FFB];
	_ =	sdelay $0x3  }
0x9a: {  	_ =	strace s18  }
0x9b: {  	s7 =	sld [smem:$0x3FFC];
	_ =	sdelay $0x3  }
0x9c: {  	_ =	strace s7  }
0x9d: {  	s7 =	sld [smem:$0x3FFD];
	_ =	sdelay $0x3  }
0x9e: {  	_ =	strace s7  }
0x9f: {  	_ =	strace $0x8FFFFFFF  }
0xa0: {  	s19 =	sld [smem:$0x3FDB];
	_ =	sdelay $0x1  }
0xa1: {  	s8 =	simm.s32 $_scs_section_size  }
0xa2: {  	s9 =	simm.s32 $_size__tile_overlayer_lowered;
	s10 =	simm.s32 $_tile_overlayer_lowered  }
0xa3: {  	s22 =	simm.s32 $0x1BFF;
	s21 =	sshll.u32 s10, $0x1;
	s7 =	sadd.s32 s8, s19  }
0xa4: {  	s11 =	simm.s32 $0x0;
	s20 =	sshll.u32 s9, $0x1;
	s9 =	sadd.s32 s21, s7  }
0xa5: {  	[timem:s11], [sflag:s22] =	dma.local [hbm:s9], s20  }
0xa6: {  	_ =	swait.ge [sflag:s22], s20  }
0xa7: {  	s8 =	ssub.s32 $0x0, s20;
	[sflag:s22] =	ssyncset.done $0x0  }
0xa8: {  	[sflag:s22] =	ssyncadd.s32 s8;
	_ =	sdelay $0x1  }
0xa9: {  	s23 =	simm.s32 $0x1B8B  }
0xaa: {  	_ =	swait.ge [sflag:s23], $0x1  }
0xab: {  	[sflag:s23] =	ssyncset.done $0x0  }
0xac: {  	s25 =	simm.s32 $0x1B8E;
	s24 =	sld [smem:$0x3FFE];
	[sflag:s23] =	ssyncadd.s32 $0xFFFFFFFF  }
0xad: {  	s26 =	simm.s32 $execute0_lowered;
	[smem:$0x3FD2] =	sst s25  }
0xae: {  	s9 =	sshll.u32 s26, $0x1;
	_ =	strace $0x80000046;
	[dreg:$0x1] =	wrdreg $0xFFFFFFFF  }
0xaf: {  	s28 =	simm.s32 $_size_execute0_lowered;
	s7 =	sadd.s32 s7, s9;
	[dreg:$0x0] =	wrdreg $0x0  }
0xb0: {  	s9 =	sshll.u32 s28, $0x1;
	[dreg:$0x2] =	wrdreg s7  }
0xb1: {  	[dreg:$0x3] =	wrdreg s9  }
0xb2: {  	[dreg:$0x4] =	wrdreg $0xC0  }
0xb3: {  	_ =	task [dreg:s11], $0x5FFFF  }
0xb4: {  	[dreg:$0x1] =	wrdreg $0xFFFFFFFF  }
0xb5: {  	[dreg:$0x0] =	wrdreg $0x60  }
0xb6: {  	[dreg:$0x2] =	wrdreg s16  }
0xb7: {  	[dreg:$0x3] =	wrdreg s15  }
0xb8: {  	[dreg:$0x4] =	wrdreg s4  }
0xb9: {  	[dreg:$0x5] =	wrdreg s5  }
0xba: {  	[dreg:$0x6] =	wrdreg s24  }
0xbb: {  	[dreg:$0x7] =	wrdreg s17  }
0xbc: {  	[dreg:$0x8] =	wrdreg $0x1C9D00  }
0xbd: {  	[dreg:$0x9] =	wrdreg $0x1CC480  }
0xbe: {  	[dreg:$0xa] =	wrdreg $0x1CEC00  }
0xbf: {  	[dreg:$0xb] =	wrdreg $0x1D1380  }
0xc0: {  	[dreg:$0xc] =	wrdreg $0x1DD700  }
0xc1: {  	[dreg:$0xd] =	wrdreg $0x9  }
0xc2: {  	_ =	task.clear_ibuf [dreg:s11], $0xEFFFF;
	_ =	strace $0x90000046  }
0xc3: {  	s29 =	simm.s32 $0x9;
	_ =	strace $0x80000048  }
0xc4: {  	_ =	swait.ge [sflag:s29], $0x1  }
0xc5: {  	[sflag:s29] =	ssyncadd.s32 $0xFFFFFFFF  }
0xc6: {  	_ =	strace $0x90000048  }
0xc7: {  	_ =	sfence  }
0xc8: {  	s30 =	sld [smem:$0x0];
	_ =	sdelay $0x2  }
0xc9: {  	s31 =	sshll.u32 s1, $0xD;
	s1 =	sshrl.u32 s1, $0x2  }
0xca: {  	s3 =	sand.u32 $0x4000, s31;
	s1 =	sadd.s32 s1, s30  }
0xcb: {  	s0 =	sor.u32 s3, s0;
	s1 =	sshll.u32 s1, $0x11  }
0xcc: {  	s0 =	sor.u32 s1, s0  }
0xcd: {  	s0 =	sadd.s32 $0x8F2B, s0  }
0xce: {  	[sflag:s0] =	ssyncadd.remote.s32 $0x1  }
0xcf: {  	_ =	sfence.sel $0xFFFF  }
0xd0: {  	[dreg:$0x0] =	wrdreg $0xFFFFFFFF;
	(pc) =	sbr.abs _section_cstart, $3  }
0xd1: {  	[dreg:$0x1] =	wrdreg $0xFFFFFFFF  }
0xd2: {  	_ =	task.clear_ibuf [dreg:s11], $0x2FFFF;
	_ =	strace $0x9FFFFFFF  }
0xd3: {  	(tm) =	ssettm $0x7FFFFFFF  }
tec
execute0_lowered:
.L_overlay_start_1:
0x0: {  	(tag) =	ssettag $0x1  }
0x1: {  	s1 =	rddreg [dreg:$0x1]  }
0x2: {  	s2 =	rddreg [dreg:$0x2]  }
0x3: {  	s3 =	rddreg [dreg:$0x3]  }
0x4: {  	s4 =	rddreg [dreg:$0x4]  }
0x5: {  	s5 =	rddreg [dreg:$0x6]  }
0x6: {  	s6 =	rddreg [dreg:$0x7]  }
0x7: {  	s7 =	rddreg [dreg:$0x8]  }
0x8: {  	s8 =	rddreg [dreg:$0x9];
	s9 =	simm.s32 $0x0;
	s0 =	srdreg.scid  }
0x9: {  	s10 =	stileid.u32;
	[smem:$0x7FF] =	sst s9  }
0xa: {  	s12 =	sand.u32 $0x1, s0;
	s13 =	sadd.s32 $0x68400, s4;
	s11 =	smul.u32 $0x7D0, s10  }
0xb: {  	s14 =	sadd.s32 $0x66A00, s4;
	s16 =	smul.u32 $0x61A8, s10;
	s17 =	sadd.s32 $0xFFFFFFF6, s10  }
0xc: {  	p0 =	slt.u32 s10, $0x5;
	s22 =	sand.u32 $0xE, s10;
	s26 =	sshll.u32 s10, $0x1  }
0xd: {  	p2 =	sgt.u32 s10, $0x4;
	s0 =	ssub.s32 $0x2, s12;
	s28 =	smul.u32 $0x2710, s12  }
0xe: {  	p6 =	sgt.u32 @p2 s10, $0x6;
	s15 =	sshrl.u32 s0, $0x1;
	s23 =	sadd.s32 $0xFFFFB1E0, s11  }
0xf: {  	s24 =	sadd.s32 $0xFFFFD8F0, s11;
	s20 =	sshrl.u32 s11, $0x3;
	s25 =	sadd.s32 $0xFFFF3CB0, s16  }
0x10: {  	s0 =	ssub.s32 s0, s15;
	s15 =	sadd.s32 $0xFFFFFFFB, s10;
	s18 =	sshrl.u32 s23, $0x3  }
0x11: {  	s19 =	sshrl.u32 s24, $0x3;
	s21 =	sshrl.u32 s25, $0x3;
	s23 =	sadd.s32 s23, s7  }
0x12: {  	s24 =	sadd.s32 s24, s6;
	s18 =	sadd.s32 s13, s18;
	s19 =	sadd.s32 s13, s19  }
0x13: {  	s13 =	sadd.s32 s13, s20;
	s20 =	sshrl.u32 s16, $0x3;
	[dreg:$0xc] =	wrdreg s18  }
0x14: {  	p3 =	sgt.u32 @!p0 s15, $0x4;
	s0 =	smax.u32 s0, $0x1;
	[dreg:$0xd] =	wrdreg s19  }
0x15: {  	[dreg:$0xe] =	wrdreg s13;
	s13 =	sadd.s32 s14, s20;
	p1 =	por !p3, p0  }
0x16: {  	s18 =	rddreg [dreg:$0xa];
	s19 =	sadd.s32 $0x1D200, s4;
	s20 =	sadd.s32 $0x4A00, s4  }
0x17: {  	[dreg:$0xf] =	wrdreg s13;
	s13 =	sadd.s32 s14, s21;
	p4 =	sgt.u32 @!p1 s17, $0x4  }
0x18: {  	p1 =	sne.s32 s22, $0x2;
	s17 =	sor.u32 s12, s26;
	s12 =	smul.u32 $0xC350, s12  }
0x19: {  	s14 =	sadd.s32 $0xFFFFFFF9, s10;
	[dreg:$0x10] =	wrdreg s13;
	s13 =	simm.s32 @!p1 $0x0  }
0x1a: {  	s26 =	sadd.s32 $0xFFFD5468, s16;
	s13 =	simm.s32 @p1 $0x1;
	p1 =	por !p6, !p2  }
0x1b: {  	s21 =	sadd.s32 $0x4E200, s4;
	s22 =	sadd.s32 $0x35A00, s4;
	p1 =	sgt.u32 @!p1 s14, $0x1  }
0x1c: {  	[smem:$0x7F8] =	sst s13;
	s13 =	sadd.s32 s11, s28;
	s14 =	simm.s32 @!p1 $0x0  }
0x1d: {  	s25 =	sadd.s32 s25, s18;
	s13 =	sshrl.u32 s13, $0x3;
	s14 =	simm.s32 @p1 $0x1  }
0x1e: {  	s13 =	sadd.s32 s13, s4;
	p1 =	sgt.u32 @p0 s10, $0x1;
	[smem:$0x7F7] =	sst s14  }
0x1f: {  	s14 =	sadd.s32 $0xFFFE17B8, s16;
	p5 =	por p1, !p0;
	_ =	strace $0x80000047  }
0x20: {  	s29 =	sadd.s32 s12, s14;
	s12 =	sadd.s32 s12, s26;
	[dreg:$0x1d] =	wrdreg s0  }
0x21: {  	s0 =	simm.s32 @!p5 $0x0;
	s15 =	sshrl.u32 s29, $0x3;
	s12 =	sshrl.u32 s12, $0x3  }
0x22: {  	s0 =	simm.s32 @p5 $0x1;
	s15 =	sadd.s32 s15, s4;
	s12 =	sadd.s32 s12, s4  }
0x23: {  	s4 =	smul.u32 $0x190, s17;
	[smem:$0x7F6] =	sst s0;
	s12 =	sadd.s32 $0x6A800, s12  }
0x24: {  	s16 =	sadd.s32 s16, s8;
	s15 =	sadd.s32 $0x6DA00, s15;
	[dreg:$0x1b] =	wrdreg s12  }
0x25: {  	p1 =	por @!p0 p4, !p3;
	s29 =	sadd.s32 s3, s4;
	[dreg:$0x1c] =	wrdreg s15  }
0x26: {  	s26 =	sadd.s32 s26, s18;
	[dreg:$0x13] =	wrdreg s29;
	s29 =	sadd.s32 s20, s4  }
0x27: {  	s14 =	sadd.s32 s14, s8;
	[dreg:$0x15] =	wrdreg s29;
	s29 =	sadd.s32 $0x69400, s13  }
0x28: {  	s31 =	sshrl.u32 @!p5 s16, $0x3;
	p4 =	por p1, p0;
	[dreg:$0x19] =	wrdreg s29  }
0x29: {  	s16 =	sshrl.u32 @!p4 s23, $0x3;
	s28 =	sadd.s32 s1, s4;
	s29 =	sld [smem:$0x7F7]  }
0x2a: {  	p5 =	por p3, p0;
	s30 =	sadd.s32 s2, s4;
	[dreg:$0x11] =	wrdreg s28  }
0x2b: {  	p3 =	por p6, !p2;
	[dreg:$0x12] =	wrdreg s30;
	s30 =	sadd.s32 s19, s4  }
0x2c: {  	s28 =	sadd.s32 $0x69E00, s13;
	[dreg:$0x14] =	wrdreg s30;
	p1 =	seq.s32 s29, $0x1  }
0x2d: {  	s30 =	sadd.s32 s21, s4;
	[dreg:$0x18] =	wrdreg s28;
	p1 =	por @p2 p1, !p6  }
0x2e: {  	s4 =	sadd.s32 s22, s4;
	[dreg:$0x16] =	wrdreg s30;
	p1 =	por p1, !p2  }
0x2f: {  	[dreg:$0x17] =	wrdreg s4;
	s30 =	sadd.s32 $0x68A00, s13;
	s0 =	simm.s32 @!p1 $0x0  }
0x30: {  	s23 =	simm.s32 $0x0;
	[dreg:$0x1a] =	wrdreg s30;
	s0 =	simm.s32 @p1 $0x1  }
0x31: {  	s15 =	simm.s32 $0x2;
	[smem:$0x7F9] =	sst s0;
	s0 =	sshrl.u32 @!p1 s26, $0x3  }
0x32: {  	s28 =	sadd.s32 s11, s7;
	[dreg:$0x1e] =	wrdreg s0;
	s0 =	simm.s32 @!p3 $0x0  }
0x33: {  	s4 =	sadd.s32 s11, s5;
	s30 =	sld [smem:$0x7F8];
	s0 =	simm.s32 @p3 $0x1  }
0x34: {  	s13 =	sadd.s32 s11, s6;
	[smem:$0x7FA] =	sst s0;
	s0 =	sshrl.u32 @!p3 s14, $0x3  }
.Ltmp0:
0x35: {  	[dreg:$0x1f] =	wrdreg s0;
	s0 =	sshrl.u32 @!p2 s13, $0x3;
	(pc) =	sbr.rel .LBB2_1-.Ltmp0, $4  }
0x36: {  	p1 =	slt.u32 s10, $0xD;
	[smem:$0x7FB] =	sst s0;
	s0 =	sshrl.u32 @!p2 s28, $0x3  }
0x37: {  	p6 =	seq.s32 s30, $0x1;
	[smem:$0x7FC] =	sst s0;
	s0 =	simm.s32 @!p1 $0x0  }
0x38: {  	s11 =	sshrl.u32 @!p5 s24, $0x3;
	s12 =	sshrl.u32 @!p6 s25, $0x3;
	s0 =	simm.s32 @p1 $0x1  }
0x39: {  	s14 =	simm.s32 $0x1;
	s13 =	simm.s32 $0x3;
	[smem:$0x7FD] =	sst s0  }
.LBB2_9:
0x3a: {  	_ =	swait.ge [sflag:s15], $0xC80  }
0x3b: {  	[sflag:s15] =	ssyncset.done $0x0  }
0x3c: {  	[sflag:s15] =	ssyncadd.s32 $0xFFFFF380  }
0x3d: {  	_ =	swait.ge [sflag:s15], $0xC80  }
0x3e: {  	[sflag:s15] =	ssyncset.done $0x0  }
0x3f: {  	[sflag:s15] =	ssyncadd.s32 $0xFFFFF380  }
0x40: {  	_ =	swait.ge [sflag:s15], $0xC80  }
0x41: {  	[sflag:s15] =	ssyncset.done $0x0  }
0x42: {  	[sflag:s15] =	ssyncadd.s32 $0xFFFFF380  }
0x43: {  	_ =	swait.ge [sflag:s15], $0xC80  }
0x44: {  	[sflag:s15] =	ssyncset.done $0x0  }
0x45: {  	[sflag:s15] =	ssyncadd.s32 $0xFFFFF380  }
0x46: {  	_ =	swait.ge [sflag:s15], $0xC80  }
0x47: {  	s0 =	sld [smem:$0x7F9]  }
0x48: {  	[sflag:s15] =	ssyncset.done $0x0  }
0x49: {  	[sflag:s15] =	ssyncadd.s32 $0xFFFFF380  }
0x4a: {  	[bflag:$0x0] =	sbarrier.arrive $0xFFFF;
	p1 =	seq.s32 s0, $0x1  }
0x4b: {  	s24 =	rddreg [dreg:$0x1b];
	s0 =	sshll.u32 @!p1 s10, $0x6  }
0x4c: {  	s25 =	rddreg [dreg:$0x1e];
	s0 =	sor.u32 @!p1 $0x1C03, s0  }
0x4d: {  	[hbm:s24], [sflag:s0] =	dma.local @!p1 [spmem:s25], $0xC35  }
0x4e: {  	s0 =	simm.s32 @!p1 $0x3  }
0x4f: {  	_ =	swait.ge @!p1 [sflag:s0], $0xC35  }
0x50: {  	s30 =	sld [smem:$0x7FA];
	_ =	sdelay $0x2  }
0x51: {  	p3 =	seq.s32 s30, $0x1  }
0x52: {  	[sflag:s0] =	ssyncset.done @!p1 $0x0;
	s25 =	rddreg [dreg:$0x1f];
	s24 =	sshll.u32 @!p3 s10, $0x6  }
0x53: {  	[sflag:s0] =	ssyncadd.s32 @!p1 $0xFFFFF3CB;
	s0 =	sor.u32 @!p3 $0x1C03, s24;
	s24 =	rddreg [dreg:$0x1c]  }
0x54: {  	[hbm:s24], [sflag:s0] =	dma.local @!p3 [spmem:s25], $0xC35  }
0x55: {  	s0 =	simm.s32 @!p3 $0x3  }
0x56: {  	_ =	swait.ge @!p3 [sflag:s0], $0xC35  }
0x57: {  	s24 =	sshll.u32 @!p2 s10, $0x6;
	[sflag:s0] =	ssyncset.done @!p3 $0x0;
	s25 =	rddreg [dreg:$0x18]  }
0x58: {  	[sflag:s0] =	ssyncadd.s32 @!p3 $0xFFFFF3CB;
	s0 =	sor.u32 @!p2 $0x1C03, s24;
	s24 =	sshrl.u32 @!p2 s4, $0x3  }
0x59: {  	[hbm:s25], [sflag:s0] =	dma.local @!p2 [spmem:s24], $0xFA  }
0x5a: {  	s24 =	simm.s32 @!p2 $0x3  }
0x5b: {  	_ =	swait.ge @!p2 [sflag:s24], $0xFA  }
0x5c: {  	s26 =	sld [smem:$0x7FB]  }
0x5d: {  	[sflag:s24] =	ssyncset.done @!p2 $0x0  }
0x5e: {  	s25 =	rddreg [dreg:$0x19];
	[sflag:s24] =	ssyncadd.s32 @!p2 $0xFFFFFF06  }
0x5f: {  	[hbm:s25], [sflag:s0] =	dma.local @!p2 [spmem:s26], $0xFA  }
0x60: {  	_ =	swait.ge @!p2 [sflag:s24], $0xFA  }
0x61: {  	s26 =	sld [smem:$0x7FC]  }
0x62: {  	[sflag:s24] =	ssyncset.done @!p2 $0x0  }
0x63: {  	s25 =	rddreg [dreg:$0x1a];
	[sflag:s24] =	ssyncadd.s32 @!p2 $0xFFFFFF06  }
0x64: {  	[hbm:s25], [sflag:s0] =	dma.local @!p2 [spmem:s26], $0xFA  }
0x65: {  	_ =	swait.ge @!p2 [sflag:s24], $0xFA  }
0x66: {  	[sflag:s24] =	ssyncset.done @!p2 $0x0  }
0x67: {  	[sflag:s24] =	ssyncadd.s32 @!p2 $0xFFFFFF06  }
.LBB2_10:
0x68: {  	s23 =	sadd.s32 $0x1, s23;
	s0 =	rddreg [dreg:$0x1d]  }
0x69: {  	p1 =	sne.s32 s23, s0  }
.Ltmp1:
0x6a: {  	_ = 	snop;
	(pc) =	sbr.rel @!p1 .LBB2_11-.Ltmp1, $1  }
0x6b: {  	_ =	sdelay $0x3  }
.LBB2_1:
0x6c: {  	s0 =	rddreg [dreg:$0x5];
	s24 =	simm.s32 $0x1BD50  }
0x6d: {  	[tilespmem:s24], [sflag:$0x3] =	stream.linear.gather [hbm4b:s0+s9], $0xC80, $0x38;
	[tilespmem:$0x1E9A8] =	vst v63  }
0x6e: {  	_ =	swait.ge [sflag:s13], $0xC80  }
0x6f: {  	[sflag:s13] =	ssyncset.done $0x0  }
0x70: {  	[sflag:s13] =	ssyncadd.s32 $0xFFFFF380  }
0x71: {  	s25 =	rddreg [dreg:$0x0]  }
0x72: {  	[tilespmem:s9], [sflag:$0x3] =	stream.linear.gather [hbm4b:s25+s9], $0xC350, $0x38;
	[tilespmem:$0x1E9A8] =	vst v63  }
0x73: {  	s24 =	sshll.u32 @p0 s10, $0x6;
	_ =	swait.ge [sflag:s13], $0xC350  }
0x74: {  	s24 =	sor.u32 @p0 $0x1C03, s24;
	[sflag:s13] =	ssyncset.done $0x0  }
0x75: {  	s25 =	sshrl.u32 @p0 s4, $0x3;
	s0 =	rddreg [dreg:$0xe];
	[sflag:s13] =	ssyncadd.s32 $0xFFFF3CB0  }
0x76: {  	[spmem:s25], [sflag:s24] =	dma.local @p0 [hbm:s0], $0xFA  }
0x77: {  	s25 =	simm.s32 @p0 $0x3  }
0x78: {  	_ =	swait.ge @p0 [sflag:s25], $0xFA  }
0x79: {  	s26 =	sld [smem:$0x7F6];
	_ =	sdelay $0x1  }
0x7a: {  	[sflag:s25] =	ssyncset.done @p0 $0x0  }
0x7b: {  	s0 =	rddreg [dreg:$0xf];
	[sflag:s25] =	ssyncadd.s32 @p0 $0xFFFFFF06;
	p1 =	seq.s32 s26, $0x1  }
0x7c: {  	[spmem:s31], [sflag:s24] =	dma.local @!p1 [hbm:s0], $0xC35  }
0x7d: {  	s24 =	simm.s32 @!p1 $0x3  }
0x7e: {  	_ =	swait.ge @!p1 [sflag:s24], $0xC35  }
0x7f: {  	s25 =	sshll.u32 @!p4 s10, $0x6;
	[sflag:s24] =	ssyncset.done @!p1 $0x0  }
0x80: {  	s0 =	rddreg [dreg:$0xc];
	[sflag:s24] =	ssyncadd.s32 @!p1 $0xFFFFF3CB;
	s24 =	sor.u32 @!p4 $0x1C03, s25  }
0x81: {  	[spmem:s16], [sflag:s24] =	dma.local @!p4 [hbm:s0], $0xFA  }
0x82: {  	s24 =	simm.s32 @!p4 $0x3  }
0x83: {  	_ =	swait.ge @!p4 [sflag:s24], $0xFA  }
0x84: {  	s25 =	sshll.u32 @!p5 s10, $0x6;
	[sflag:s24] =	ssyncset.done @!p4 $0x0  }
0x85: {  	s0 =	rddreg [dreg:$0xd];
	[sflag:s24] =	ssyncadd.s32 @!p4 $0xFFFFFF06;
	s24 =	sor.u32 @!p5 $0x1C03, s25  }
0x86: {  	[spmem:s11], [sflag:s24] =	dma.local @!p5 [hbm:s0], $0xFA  }
0x87: {  	s24 =	simm.s32 @!p5 $0x3  }
0x88: {  	_ =	swait.ge @!p5 [sflag:s24], $0xFA  }
0x89: {  	s28 =	sld [smem:$0x7F8];
	_ =	sdelay $0x2  }
0x8a: {  	p1 =	seq.s32 s28, $0x1  }
0x8b: {  	[sflag:s24] =	ssyncset.done @!p5 $0x0;
	s25 =	sshll.u32 @!p1 s10, $0x6  }
0x8c: {  	s0 =	rddreg [dreg:$0x10];
	[sflag:s24] =	ssyncadd.s32 @!p5 $0xFFFFFF06;
	s24 =	sor.u32 @!p1 $0x1C03, s25  }
0x8d: {  	[spmem:s12], [sflag:s24] =	dma.local @!p1 [hbm:s0], $0xC35  }
0x8e: {  	s24 =	simm.s32 @!p1 $0x3  }
0x8f: {  	_ =	swait.ge @!p1 [sflag:s24], $0xC35  }
0x90: {  	[sflag:s24] =	ssyncset.done @!p1 $0x0  }
0x91: {  	[sflag:s24] =	ssyncadd.s32 @!p1 $0xFFFFF3CB  }
0x92: {  	[bflag:$0x0] =	sbarrier.arrive $0xFFFF  }
0x93: {  	s30 =	simm.s32 $0xC350;
	s29 =	rddreg [dreg:$0x11]  }
0x94: {  	[tilespmem:s30], [sflag:$0x1] =	stream.linear.gather [hbm4b:s29+s9], $0xC80, $0x38;
	[tilespmem:$0x1E9A8] =	vst v63  }
0x95: {  	s25 =	simm.s32 $0xDC50;
	s24 =	rddreg [dreg:$0x12]  }
0x96: {  	[tilespmem:s25], [sflag:$0x1] =	stream.linear.gather [hbm4b:s24+s9], $0xC80, $0x38;
	[tilespmem:$0x1E9A8] =	vst v63  }
0x97: {  	s28 =	simm.s32 $0xF550;
	s26 =	rddreg [dreg:$0x13]  }
0x98: {  	[tilespmem:s28], [sflag:$0x1] =	stream.linear.gather [hbm4b:s26+s9], $0xC80, $0x38;
	[tilespmem:$0x1E9A8] =	vst v63  }
0x99: {  	s29 =	rddreg [dreg:$0x14];
	s30 =	simm.s32 $0x10E50  }
0x9a: {  	[tilespmem:s30], [sflag:$0x1] =	stream.linear.gather [hbm4b:s29+s9], $0xC80, $0x38;
	[tilespmem:$0x1E9A8] =	vst v63  }
0x9b: {  	s24 =	rddreg [dreg:$0x15];
	s25 =	simm.s32 $0x12750  }
0x9c: {  	[tilespmem:s25], [sflag:$0x1] =	stream.linear.gather [hbm4b:s24+s9], $0xC80, $0x38;
	[tilespmem:$0x1E9A8] =	vst v63  }
.Ltmp2:
0x9d: {  	_ = 	snop;
	(pc) =	sbr.rel .LBB2_2-.Ltmp2, $4  }
0x9e: {  	p6 =	por $0x0, $0x0;
	s26 =	rddreg [dreg:$0x16];
	s28 =	simm.s32 $0x14050  }
0x9f: {  	[tilespmem:s28], [sflag:$0x1] =	stream.linear.gather [hbm4b:s26+s9], $0xC80, $0x38;
	[tilespmem:$0x1E9A8] =	vst v63  }
0xa0: {  	s29 =	rddreg [dreg:$0x17];
	s30 =	simm.s32 $0x15950;
	s24 =	simm.s32 $0x0  }
0xa1: {  	[tilespmem:s30], [sflag:$0x1] =	stream.linear.gather [hbm4b:s29+s9], $0xC80, $0x38;
	[tilespmem:$0x1E9A8] =	vst v63  }
.LBB2_6:
0xa2: {  	p1 =	seq.s32 s24, $0x0  }
0xa3: {  	s26 =	simm.s32 @!p1 $0x2  }
0xa4: {  	_ =	swait.ge @!p1 [sflag:s26], $0xC80  }
0xa5: {  	[sflag:s26] =	ssyncset.done @!p1 $0x0  }
0xa6: {  	[sflag:s26] =	ssyncadd.s32 @!p1 $0xFFFFF380  }
0xa7: {  	_ =	swait.ge @!p1 [sflag:s26], $0xC80  }
0xa8: {  	[sflag:s26] =	ssyncset.done @!p1 $0x0  }
0xa9: {  	[sflag:s26] =	ssyncadd.s32 @!p1 $0xFFFFF380  }
0xaa: {  	_ =	swait.ge @!p1 [sflag:s26], $0xC80  }
0xab: {  	[sflag:s26] =	ssyncset.done @!p1 $0x0  }
0xac: {  	[sflag:s26] =	ssyncadd.s32 @!p1 $0xFFFFF380  }
0xad: {  	_ =	swait.ge @!p1 [sflag:s26], $0xC80  }
0xae: {  	[sflag:s26] =	ssyncset.done @!p1 $0x0  }
0xaf: {  	s28 =	sand.u32 $0x1, s24;
	[sflag:s26] =	ssyncadd.s32 @!p1 $0xFFFFF380  }
0xb0: {  	s29 =	smul.u32 @!p3 $0xC80, s28;
	_ =	swait.ge @!p1 [sflag:s26], $0xC80  }
0xb1: {  	s0 =	simm.s32 @!p3 $0xC80;
	[sflag:s26] =	ssyncset.done @!p1 $0x0  }
0xb2: {  	s30 =	sadd.s32 @!p3 $0xDC50, s29;
	[sflag:s26] =	ssyncadd.s32 @!p1 $0xFFFFF380;
	s26 =	sadd.s32 @!p3 $0x17250, s29  }
0xb3: {  	[spmem:s5] =	stream.indirect.scatter.add.f32 @!p3 [tilespmem:s26], [sflag:$0x2], $0x1, s30, s0, $0xb8;
	[tilespmem:$0x1E9A8] =	vst v63  }
0xb4: {  	s26 =	sadd.s32 @!p3 $0x18B50, s29  }
0xb5: {  	[spmem:s6] =	stream.indirect.scatter.add.f32 @!p3 [tilespmem:s26], [sflag:$0x2], $0x1, s30, s0, $0xb8;
	[tilespmem:$0x1E9A8] =	vst v63  }
0xb6: {  	s26 =	simm.s32 @!p3 $0x1BD50  }
0xb7: {  	[spmem:s7] =	stream.indirect.scatter.add.f32 @!p3 [tilespmem:s26], [sflag:$0x2], $0x1, s30, s0, $0xb8;
	[tilespmem:$0x1E9A8] =	vst v63  }
0xb8: {  	p1 =	sgt.u32 @!p3 s25, $0xD9;
	s30 =	sadd.s32 @!p3 $0x1A450, s29;
	s29 =	sadd.s32 @!p3 $0xF550, s29  }
0xb9: {  	[spmem:s8] =	stream.indirect.scatter.add.f32 @!p3 [tilespmem:s30], [sflag:$0x2], $0x1, s29, s0, $0xb8;
	[tilespmem:$0x1E9A8] =	vst v63  }
0xba: {  	p1 =	por p1, p3  }
0xbb: {  	[spmem:s18] =	stream.indirect.scatter.add.f32 @!p3 [tilespmem:s26], [sflag:$0x2], $0x1, s29, s0, $0xb8;
	[tilespmem:$0x1E9A8] =	vst v63  }
0xbc: {  	s0 =	smul.u32 @!p1 $0xC80, s25  }
0xbd: {  	s25 =	sxor.u32 @!p1 $0x1, s28  }
0xbe: {  	s25 =	smul.u32 @!p1 $0xC80, s25;
	s0 =	sshrl.u32 @!p1 s0, $0x3  }
0xbf: {  	s0 =	sadd.s32 @!p1 $0x3200, s0  }
0xc0: {  	s29 =	simm.s32 @!p1 $0x0;
	s26 =	sadd.s32 @!p1 $0xC350, s25;
	s28 =	sadd.s32 @!p1 s1, s0  }
0xc1: {  	[tilespmem:s26], [sflag:$0x1] =	stream.linear.gather @!p1 [hbm4b:s28+s29], $0xC80, $0x38;
	[tilespmem:$0x1E9A8] =	vst v63  }
0xc2: {  	s26 =	sadd.s32 @!p1 $0xDC50, s25;
	s28 =	sadd.s32 @!p1 s2, s0  }
0xc3: {  	[tilespmem:s26], [sflag:$0x1] =	stream.linear.gather @!p1 [hbm4b:s28+s29], $0xC80, $0x38;
	[tilespmem:$0x1E9A8] =	vst v63  }
0xc4: {  	s26 =	sadd.s32 @!p1 $0xF550, s25;
	s28 =	sadd.s32 @!p1 s3, s0  }
0xc5: {  	[tilespmem:s26], [sflag:$0x1] =	stream.linear.gather @!p1 [hbm4b:s28+s29], $0xC80, $0x38;
	[tilespmem:$0x1E9A8] =	vst v63  }
0xc6: {  	s26 =	sadd.s32 @!p1 $0x10E50, s25;
	s28 =	sadd.s32 @!p1 s19, s0  }
0xc7: {  	[tilespmem:s26], [sflag:$0x1] =	stream.linear.gather @!p1 [hbm4b:s28+s29], $0xC80, $0x38;
	[tilespmem:$0x1E9A8] =	vst v63  }
0xc8: {  	s26 =	sadd.s32 @!p1 $0x12750, s25;
	s28 =	sadd.s32 @!p1 s20, s0  }
0xc9: {  	[tilespmem:s26], [sflag:$0x1] =	stream.linear.gather @!p1 [hbm4b:s28+s29], $0xC80, $0x38;
	[tilespmem:$0x1E9A8] =	vst v63  }
0xca: {  	s26 =	sor.u32 @!p1 $0x14050, s25;
	s28 =	sadd.s32 @!p1 s21, s0  }
0xcb: {  	[tilespmem:s26], [sflag:$0x1] =	stream.linear.gather @!p1 [hbm4b:s28+s29], $0xC80, $0x38;
	[tilespmem:$0x1E9A8] =	vst v63  }
0xcc: {  	s24 =	sadd.s32 $0x1, s24;
	s25 =	sadd.s32 @!p1 $0x15950, s25;
	s0 =	sadd.s32 @!p1 s22, s0  }
0xcd: {  	[tilespmem:s25], [sflag:$0x1] =	stream.linear.gather @!p1 [hbm4b:s0+s29], $0xC80, $0x38;
	[tilespmem:$0x1E9A8] =	vst v63  }
0xce: {  	p1 =	sne.s32 s24, $0x8  }
.Ltmp3:
0xcf: {  	_ = 	snop;
	(pc) =	sbr.rel @!p1 .LBB2_7-.Ltmp3, $2  }
0xd0: {  	_ =	sdelay $0x2  }
0xd1: {  	p6 =	por !p6, !p6  }
.LBB2_2:
0xd2: {  	s25 =	sshll.u32 s24, $0x5  }
0xd3: {  	s25 =	sor.u32 s17, s25  }
0xd4: {  	p3 =	sgt.u32 s25, $0xF9  }
.Ltmp4:
0xd5: {  	_ = 	snop;
	(pc) =	sbr.rel @p3 .LBB2_6-.Ltmp4, $1  }
0xd6: {  	_ =	sdelay $0x3  }
0xd7: {  	_ =	swait.ge [sflag:s14], $0xC80  }
0xd8: {  	[sflag:s14] =	ssyncset.done $0x0  }
0xd9: {  	[sflag:s14] =	ssyncadd.s32 $0xFFFFF380  }
0xda: {  	_ =	swait.ge [sflag:s14], $0xC80  }
0xdb: {  	[sflag:s14] =	ssyncset.done $0x0  }
0xdc: {  	[sflag:s14] =	ssyncadd.s32 $0xFFFFF380  }
0xdd: {  	_ =	swait.ge [sflag:s14], $0xC80  }
0xde: {  	[sflag:s14] =	ssyncset.done $0x0  }
0xdf: {  	[sflag:s14] =	ssyncadd.s32 $0xFFFFF380  }
0xe0: {  	_ =	swait.ge [sflag:s14], $0xC80  }
0xe1: {  	s26 =	simm.s32 $0x1;
	[sflag:s14] =	ssyncset.done $0x0  }
0xe2: {  	s26 =	simm.s32 @!p6 $0x0;
	[sflag:s14] =	ssyncadd.s32 $0xFFFFF380  }
0xe3: {  	s26 =	smul.u32 $0x3200, s26;
	_ =	swait.ge [sflag:s14], $0xC80  }
0xe4: {  	[sflag:s14] =	ssyncset.done $0x0  }
0xe5: {  	s28 =	sshrl.u32 s26, $0x2;
	[sflag:s14] =	ssyncadd.s32 $0xFFFFF380  }
0xe6: {  	s26 =	sadd.s32 $0xC350, s28;
	_ =	swait.ge [sflag:s14], $0xC80  }
0xe7: {  	v0 =	vmov s26;
	[sflag:s14] =	ssyncset.done $0x0  }
0xe8: {  	[sflag:s14] =	ssyncadd.s32 $0xFFFFF380  }
0xe9: {  	_ =	swait.ge [sflag:s14], $0xC80  }
0xea: {  	s29 =	sadd.s32 $0x12750, s28;
	[sflag:s14] =	ssyncset.done $0x0  }
0xeb: {  	s26 =	simm.s32 $0x0;
	v1 =	vmov s29;
	[sflag:s14] =	ssyncadd.s32 $0xFFFFF380  }
0xec: {  	s29 =	sadd.s32 $0x10E50, s28;
	v5 =	vld.idx.msk [tilespmem:v0+s26+$0x0 ss:$0x1], $0xffff  }
0xed: {  	s30 =	sadd.s32 $0x15950, s28;
	v2 =	vmov s29  }
0xee: {  	v3 =	vmov s30  }
0xef: {  	s29 =	sor.u32 $0x14050, s28  }
0xf0: {  	v6 =	vmov s29;
	v7 =	vld.idx.msk [tilespmem:v1+s26+$0x0 ss:$0x1], $0xffff;
	_ =	sdelay $0x1  }
0xf1: {  	v9 =	vld.idx.msk [tilespmem:v2+s26+$0x0 ss:$0x1], $0xffff  }
0xf2: {  	s29 =	sadd.s32 $0x17250, s28;
	v8 =	vld.idx.msk [tilespmem:v3+s26+$0x0 ss:$0x1], $0xffff  }
0xf3: {  	s0 =	sadd.s32 $0x18B50, s28;
	v4 =	vmov s29;
	v10 =	vld.idx.msk [tilespmem:v5+s9+$0x0], $0xffff  }
0xf4: {  	v11 =	vld.idx.msk [tilespmem:v6+s26+$0x0 ss:$0x1], $0xffff;
	v7 =	vsub.f32 $1.000000000e+00, v7;
	v5 =	vmov s0  }
0xf5: {  	s28 =	sadd.s32 $0x1A450, s28  }
0xf6: {  	v9 =	vmul.f32 v7, v9;
	v7 =	vmov s28  }
0xf7: {  	v8 =	vsub.f32 $1.000000000e+00, v8  }
0xf8: {  	[tilespmem:v4+s26+$0x0 ss:$0x1] =	vst.idx.msk $0xffff, v10  }
0xf9: {  	s29 =	simm.s32 $0x80;
	s28 =	simm.s32 $0x40;
	v8 =	vmul.f32 v8, v11;
	[tilespmem:v5+s26+$0x0 ss:$0x1] =	vst.idx.msk $0xffff, v9  }
.LBB2_4:
0xfa: {  	p1 =	sne.s32 s29, $0x31C0  }
0xfb: {  	[tilespmem:v7+s26+$0x0 ss:$0x1] =	vst.idx.msk $0xffff, v8;
	s26 =	sshra.s32 s28, $0x2;
	s28 =	smov.u32 s29;
	s29 =	sadd.s32 $0x40, s29  }
0xfc: {  	v8 =	vld.idx.msk [tilespmem:v0+s26+$0x0 ss:$0x1], $0xffff;
	_ =	sdelay $0x3  }
0xfd: {  	v9 =	vld.idx.msk [tilespmem:v6+s26+$0x0 ss:$0x1], $0xffff  }
0xfe: {  	v10 =	vld.idx.msk [tilespmem:v1+s26+$0x0 ss:$0x1], $0xffff  }
0xff: {  	v11 =	vld.idx.msk [tilespmem:v3+s26+$0x0 ss:$0x1], $0xffff  }
0x100: {  	v12 =	vld.idx.msk [tilespmem:v2+s26+$0x0 ss:$0x1], $0xffff  }
0x101: {  	v8 =	vld.idx.msk [tilespmem:v8+s9+$0x0], $0xffff;
	_ =	sdelay $0x2  }
.Ltmp5:
0x102: {  	v10 =	vsub.f32 $1.000000000e+00, v10;
	(pc) =	sbr.rel @p1 .LBB2_4-.Ltmp5, $4  }
0x103: {  	v11 =	vsub.f32 $1.000000000e+00, v11  }
0x104: {  	v10 =	vmul.f32 v10, v12  }
0x105: {  	[tilespmem:v4+s26+$0x0 ss:$0x1] =	vst.idx.msk $0xffff, v8;
	v8 =	vmul.f32 v11, v9  }
0x106: {  	[tilespmem:v5+s26+$0x0 ss:$0x1] =	vst.idx.msk $0xffff, v10  }
0x107: {  	_ =	sdelay $0x3  }
0x108: {  	s28 =	sshra.s32 s28, $0x2;
	[tilespmem:v7+s26+$0x0 ss:$0x1] =	vst.idx.msk $0xffff, v8  }
0x109: {  	v0 =	vld.idx.msk [tilespmem:v0+s28+$0x0 ss:$0x1], $0xffff;
	_ =	sdelay $0x3  }
0x10a: {  	v6 =	vld.idx.msk [tilespmem:v6+s28+$0x0 ss:$0x1], $0xffff  }
0x10b: {  	v1 =	vld.idx.msk [tilespmem:v1+s28+$0x0 ss:$0x1], $0xffff  }
0x10c: {  	v3 =	vld.idx.msk [tilespmem:v3+s28+$0x0 ss:$0x1], $0xffff  }
0x10d: {  	v2 =	vld.idx.msk [tilespmem:v2+s28+$0x0 ss:$0x1], $0xffff  }
0x10e: {  	v0 =	vld.idx.msk [tilespmem:v0+s9+$0x0], $0xffff;
	_ =	sdelay $0x1  }
0x10f: {  	v1 =	vsub.f32 $1.000000000e+00, v1  }
.Ltmp6:
0x110: {  	v3 =	vsub.f32 $1.000000000e+00, v3;
	(pc) =	sbr.rel .LBB2_6-.Ltmp6, $4  }
0x111: {  	v1 =	vmul.f32 v1, v2  }
0x112: {  	v63 =	vmul.f32 v3, v6;
	[tilespmem:v4+s28+$0x0 ss:$0x1] =	vst.idx.msk $0xffff, v0  }
0x113: {  	[tilespmem:v5+s28+$0x0 ss:$0x1] =	vst.idx.msk $0xffff, v1  }
0x114: {  	[tilespmem:v7+s28+$0x0 ss:$0x1] =	vst.idx.msk $0xffff, v63  }
.LBB2_7:
0x115: {  	s0 =	sld [smem:$0x7FD];
	_ =	sdelay $0x2  }
0x116: {  	p1 =	seq.s32 s0, $0x1  }
.Ltmp7:
0x117: {  	_ = 	snop;
	(pc) =	sbr.rel @p1 .LBB2_9-.Ltmp7, $1  }
0x118: {  	_ =	sdelay $0x3  }
.Ltmp8:
0x119: {  	(pc) =	sbr.rel .LBB2_10-.Ltmp8, $2  }
0x11a: {  	_ =	sdelay $0x1  }
0x11b: {  	[bflag:$0x0] =	sbarrier.arrive $0xFFFF;
	_ =	sdelay $0x1  }
.LBB2_11:
0x11c: {  	_ =	sfence.sel $0x180000  }
0x11d: {  	[bflag:$0x0] =	sbarrier.arrive $0xFFFF  }
0x11e: {  	_ =	strace $0x90000047  }
0x11f: {  	[bflag:$0x2] =	sbarrier.arrive $0xFFFF  }
0x120: {  	p0 =	sne.s32 s10, $0x0;
	s0 =	rddreg [dreg:$0xb]  }
0x121: {  	s0 =	sadd.s32 @!p0 $0x100000, s0  }
0x122: {  	[sflag:s0] =	ssyncadd.tile.s32 @!p0 $0x1;
	_ =	shalt  }
.Lfunc_end2:
_tile_overlayer_lowered:
.L_overlay_start_2:
0x123: {  	(tag) =	ssettag $0x2  }
0x124: {  	s0 =	rddreg [dreg:$0x0];
	s2 =	stileid.u32  }
0x125: {  	s1 =	rddreg [dreg:$0x1];
	p0 =	sne.s32 s2, $0x0  }
0x126: {  	s3 =	rddreg [dreg:$0x2];
	[bflag:$0x3] =	sbarrier.arrive $0xFFFF;
	s2 =	simm.s32 @!p0 $0x1C03  }
0x127: {  	[timem:s3], [sflag:s2] =	dma.local @!p0 [hbm:s0], s1  }
0x128: {  	s0 =	simm.s32 @!p0 $0x3  }
0x129: {  	_ =	swait.ge @!p0 [sflag:s0], s1  }
0x12a: {  	s1 =	ssub.s32 @!p0 $0x0, s1;
	[sflag:s0] =	ssyncset.done @!p0 $0x0  }
0x12b: {  	[sflag:s0] =	ssyncadd.s32 @!p0 s1  }
0x12c: {  	[bflag:$0x3] =	sbarrier.arrive $0xFFFF  }
0x12d: {  	_ =	shalt  }

</sc_bundles>
